<compile_context>
chip_gen: v7x
topology: tpu7x:2x2x1
jax: 0.10.2.dev20260603
libtpu: 0.0.44.dev20260713+nightly
codegen_flags: <defaults>
</compile_context>

<pallas_src>
import functools

import jax
import jax.numpy as jnp
from jax import lax
from jax.experimental import pallas as pl
from jax.experimental.pallas import tpu as pltpu
from jax.experimental.pallas import tpu_sc as plsc

E = 160000
T = 480000
H = 128
NB = 8
NR = 6
NS_SBF = 7 * 6

NC = 2
NSC = 16
NW = NC * NSC

f32 = jnp.float32
i32 = jnp.int32


def _swish(v):
    return v * jax.nn.sigmoid(v)


_EB = 2000


def _pro_body(x_ref, rbf_ref, wrbf_ref, wkj_ref, bkj_ref, wji_ref, bji_ref,
              xji_ref, xkj_ref):
    xv = x_ref[...]
    xji_ref[...] = _swish(
        jnp.dot(xv, wji_ref[...], preferred_element_type=f32) + bji_ref[...])
    rh = jnp.dot(rbf_ref[...], wrbf_ref[...], preferred_element_type=f32)
    xkj_ref[...] = _swish(
        jnp.dot(xv, wkj_ref[...], preferred_element_type=f32) + bkj_ref[...]) * rh


def _run_prologue(x, rbf, W_rbf, W_kj, b_kj, W_ji, b_ji):
    grid = (E // _EB,)
    row = lambda i: (i, 0)
    full = lambda i: (0, 0)
    return pl.pallas_call(
        _pro_body,
        grid=grid,
        in_specs=[
            pl.BlockSpec((_EB, H), row),
            pl.BlockSpec((_EB, NR), row),
            pl.BlockSpec((NR, H), full),
            pl.BlockSpec((H, H), full),
            pl.BlockSpec((1, H), full),
            pl.BlockSpec((H, H), full),
            pl.BlockSpec((1, H), full),
        ],
        out_specs=[pl.BlockSpec((_EB, H), row), pl.BlockSpec((_EB, H), row)],
        out_shape=[jax.ShapeDtypeStruct((E, H), f32),
                   jax.ShapeDtypeStruct((E, H), f32)],
    )(x, rbf, W_rbf, W_kj, b_kj.reshape(1, H), W_ji, b_ji.reshape(1, H))


_G_IT = 25
_G_ROWS = 600
_G_NS = 5
_G_SR = 120


def _gather_body(idx_hbm, src_hbm, out_hbm, idxv, rows, sem):
    c = lax.axis_index("c")
    s = lax.axis_index("s")
    wid = s * NC + c

    def chunk(i, carry):
        pltpu.sync_copy(idx_hbm.at[wid, i], idxv)
        for j in range(_G_NS):
            pltpu.async_copy(src_hbm.at[idxv.at[j]],
                             rows.at[pl.ds(j * _G_SR, _G_SR)], sem)
        for j in range(_G_NS):
            pltpu.make_async_copy(src_hbm.at[idxv.at[j]],
                                  rows.at[pl.ds(j * _G_SR, _G_SR)], sem).wait()
        off = (wid * _G_IT + i) * _G_ROWS
        pltpu.sync_copy(rows, out_hbm.at[pl.ds(off, _G_ROWS)])
        return carry

    lax.fori_loop(0, _G_IT, chunk, 0)


def _run_gather(idx_kj, x_kj):
    idx4 = idx_kj.reshape(NW, _G_IT, _G_NS, _G_SR).astype(i32)
    mesh = plsc.VectorSubcoreMesh(core_axis_name="c", subcore_axis_name="s")
    return pl.kernel(
        _gather_body,
        out_type=jax.ShapeDtypeStruct((T, H), f32),
        mesh=mesh,
        compiler_params=pltpu.CompilerParams(needs_layout_passes=False),
        scratch_types=[
            pltpu.VMEM((_G_NS, _G_SR), i32),
            pltpu.VMEM((_G_ROWS, H), f32),
            pltpu.SemaphoreType.DMA,
        ],
    )(idx4, x_kj)


_TB = 1280


def _bil_body(xg_ref, sbf_ref, wsbf_ref, w2_ref, out_ref):
    sh = jnp.dot(sbf_ref[...], wsbf_ref[...], preferred_element_type=f32)
    xg = xg_ref[...].astype(jnp.bfloat16)
    z = jnp.dot(xg, w2_ref[...], preferred_element_type=f32)
    acc = sh[:, 0:1] * z[:, 0:H]
    for j in range(1, NB):
        acc = acc + sh[:, j:j + 1] * z[:, j * H:(j + 1) * H]
    out_ref[...] = acc


def _run_bilinear(xg, sbf, W_sbf, W_bil):
    Wcat = jnp.transpose(W_bil, (2, 1, 0)).reshape(H, NB * H).astype(jnp.bfloat16)
    grid = (T // _TB,)
    row = lambda i: (i, 0)
    full2 = lambda i: (0, 0)
    return pl.pallas_call(
        _bil_body,
        grid=grid,
        in_specs=[
            pl.BlockSpec((_TB, H), row),
            pl.BlockSpec((_TB, NS_SBF), row),
            pl.BlockSpec((NS_SBF, NB), full2),
            pl.BlockSpec((H, NB * H), full2),
        ],
        out_specs=pl.BlockSpec((_TB, H), row),
        out_shape=jax.ShapeDtypeStruct((T, H), f32),
    )(xg, sbf, W_sbf, Wcat)


_S_CHUNKS_PER_CORE = 8
_S_CROWS = 10000
_S_FBLK = 80
_S_NFB = _S_CROWS // _S_FBLK
_S_PW = T // NSC
_S_BLK = 1200
_S_NBLK = _S_PW // _S_BLK
_S_NG = _S_BLK // 16
_S_FIRE = 128
_S_QCAP = 256
_S_DUMP = _S_CROWS


def _scatter_body(idx_hbm, xt_hbm, xji_hbm, out_hbm, ib, tq, dq, dq2, rows,
                  acc, sem, sem_a):
    c = lax.axis_index("c")
    s = lax.axis_index("s")

    dumpv = jnp.full((16,), _S_DUMP, i32)
    zidx = jnp.zeros((16,), i32)
    iota16 = lax.iota(i32, 16)

    def wait_gather(p):
        pltpu.make_async_copy(xt_hbm.at[dq2.at[p]], rows.at[p], sem).wait()

    def issue_add(p):
        pltpu.async_copy(rows.at[p], acc.at[dq2.at[p + 2]], sem_a, add=True)

    def wait_add(p):
        pltpu.make_async_copy(rows.at[p], acc.at[dq2.at[p + 2]], sem_a).wait()

    def fire(nf):
        p = nf % 2

        def prev_add():
            wait_gather(1 - p)
            issue_add(1 - p)

        pl.when(nf >= 1)(prev_add)
        pl.when(nf >= 2)(lambda: wait_add(p))
        for kk in range(_S_FIRE // 16):
            dq2[p, pl.ds(kk * 16, 16)] = tq[pl.ds(kk * 16, 16)]
            dq2[p + 2, pl.ds(kk * 16, 16)] = dq[pl.ds(kk * 16, 16)]
        tl = tq[pl.ds(_S_FIRE, 16)]
        dl = dq[pl.ds(_S_FIRE, 16)]
        tq[pl.ds(0, 16)] = tl
        dq[pl.ds(0, 16)] = dl
        pltpu.async_copy(xt_hbm.at[dq2.at[p]], rows.at[p], sem)

    def drain(nf_last):
        p = nf_last % 2
        wait_gather(p)
        issue_add(p)
        pl.when(nf_last >= 1)(lambda: wait_add(1 - p))
        wait_add(p)

    def one_chunk(k, carry0):
        chunk = c * _S_CHUNKS_PER_CORE + k
        lo = chunk * _S_CROWS

        def zrow(z, carry):
            bi = s + z * NSC

            def do():
                r = bi * _S_FBLK
                pltpu.sync_copy(xji_hbm.at[pl.ds(lo + r, _S_FBLK)],
                                acc.at[pl.ds(r, _S_FBLK)])

            pl.when(bi < _S_NFB)(do)
            return carry

        lax.fori_loop(0, (_S_NFB + NSC - 1) // NSC, zrow, 0)
        plsc.subcore_barrier()

        def blk_body(b, carry):
            pltpu.sync_copy(idx_hbm.at[s, b], ib)

            def grp(g, carry):
                cnt, nf = carry
                v = ib[pl.ds(g * 16, 16)]
                m = (v >= lo) & (v < lo + _S_CROWS)
                t = (s * _S_NBLK + b) * _S_BLK + g * 16 + iota16
                d = v - lo
                mi = m.astype(i32)
                n = jnp.sum(mi)

                def append():
                    incl = plsc.cumsum(mi)
                    pos = cnt + incl - mi
                    plsc.store_scatter(tq, [pos], t, mask=m)
                    plsc.store_scatter(dq, [pos], d, mask=m)

                pl.when(n > 0)(append)
                cnt = cnt + n
                full = cnt >= _S_FIRE
                pl.when(full)(lambda: fire(nf))
                return (jnp.where(full, cnt - _S_FIRE, cnt),
                        jnp.where(full, nf + 1, nf))

            return lax.fori_loop(0, _S_NG, grp, carry)

        cnt, nf = lax.fori_loop(0, _S_NBLK, blk_body,
                                (jnp.int32(0), jnp.int32(0)))

        def pad(j, carry):
            tq[pl.ds(cnt + j * 16, 16)] = zidx
            dq[pl.ds(cnt + j * 16, 16)] = dumpv
            return carry

        lax.fori_loop(0, 8, pad, 0)
        fire(nf)
        drain(nf)
        plsc.subcore_barrier()

        def frow(z, carry):
            bi = s + z * NSC

            def do():
                r = bi * _S_FBLK
                pltpu.sync_copy(acc.at[pl.ds(r, _S_FBLK)],
                                out_hbm.at[pl.ds(lo + r, _S_FBLK)])

            pl.when(bi < _S_NFB)(do)
            return carry

        lax.fori_loop(0, (_S_NFB + NSC - 1) // NSC, frow, 0)
        return carry0

    lax.fori_loop(0, _S_CHUNKS_PER_CORE, one_chunk, 0)


def _run_scatter(idx_ji, xt, x_ji):
    idx3 = idx_ji.reshape(NSC, _S_NBLK, _S_BLK).astype(i32)
    mesh = plsc.VectorSubcoreMesh(core_axis_name="c", subcore_axis_name="s")
    return pl.kernel(
        _scatter_body,
        out_type=jax.ShapeDtypeStruct((E, H), f32),
        mesh=mesh,
        compiler_params=pltpu.CompilerParams(needs_layout_passes=False),
        scratch_types=[
            pltpu.VMEM((_S_BLK,), i32),
            pltpu.VMEM((_S_QCAP,), i32),
            pltpu.VMEM((_S_QCAP,), i32),
            pltpu.VMEM((4, _S_FIRE), i32),
            pltpu.VMEM((2, _S_FIRE, H), f32),
            pltpu.VMEM_SHARED((_S_CROWS + 8, H), f32),
            pltpu.SemaphoreType.DMA,
            pltpu.SemaphoreType.DMA,
        ],
    )(idx3, xt, x_ji)


def _epi_body(agg_ref, wlin_ref, blin_ref, out_ref):
    hv = agg_ref[...]
    out_ref[...] = _swish(
        jnp.dot(hv, wlin_ref[...], preferred_element_type=f32) + blin_ref[...])


def _run_epilogue(agg, W_lin, b_lin):
    grid = (E // _EB,)
    row = lambda i: (i, 0)
    full = lambda i: (0, 0)
    return pl.pallas_call(
        _epi_body,
        grid=grid,
        in_specs=[
            pl.BlockSpec((_EB, H), row),
            pl.BlockSpec((H, H), full),
            pl.BlockSpec((1, H), full),
        ],
        out_specs=pl.BlockSpec((_EB, H), row),
        out_shape=jax.ShapeDtypeStruct((E, H), f32),
    )(agg, W_lin, b_lin.reshape(1, H))


def kernel(x, rbf, sbf, idx_kj, idx_ji, W_rbf, W_sbf, W_kj, b_kj, W_ji, b_ji,
           W_bil, W_lin, b_lin):
    x_ji, x_kj = _run_prologue(x, rbf, W_rbf, W_kj, b_kj, W_ji, b_ji)
    xg = _run_gather(idx_kj, x_kj)
    xt = _run_bilinear(xg, sbf, W_sbf, W_bil)
    agg = _run_scatter(idx_ji, xt, x_ji)
    return _run_epilogue(agg, W_lin, b_lin)

# --- scband reference (transcript-rebuilt; emitter-appended) ---
"""Pipeline reference for scband-interaction-31190052503577 (READ-ONLY COPY).

The authoritative reference and input builder live on the scoring server;
editing this copy changes nothing except your own understanding.
"""

import jax, jax.numpy as jnp
import numpy as np

E = 160000
T = 480000
H = 128
NB = 8
NR = 6
NS = 7


def swish(v):
    return v * jax.nn.sigmoid(v)


def setup_inputs(seed: int = 0) -> dict:
    key = jax.random.key(seed)
    ks = [jax.random.fold_in(key, i) for i in range(16)]
    x = jax.random.normal(ks[0], (E, H), dtype=jnp.float32)
    rbf = jax.random.normal(ks[1], (E, NR), dtype=jnp.float32)
    sbf = jax.random.normal(ks[2], (T, NS * NR), dtype=jnp.float32)
    idx_kj = jax.random.randint(ks[3], (T,), 0, E, dtype=jnp.int64 if jax.config.jax_enable_x64 else jnp.int32)
    idx_ji = jax.random.randint(ks[4], (T,), 0, E, dtype=jnp.int64 if jax.config.jax_enable_x64 else jnp.int32)
    # learned parameters (glorot-ish scaling)
    W_rbf = jax.random.normal(ks[5], (NR, H), dtype=jnp.float32) * (2.0 / (NR + H)) ** 0.5
    W_sbf = jax.random.normal(ks[6], (NS * NR, NB), dtype=jnp.float32) * (2.0 / (NS * NR + NB)) ** 0.5
    W_kj = jax.random.normal(ks[7], (H, H), dtype=jnp.float32) * (2.0 / (H + H)) ** 0.5
    b_kj = jnp.zeros((H,), dtype=jnp.float32)
    W_ji = jax.random.normal(ks[8], (H, H), dtype=jnp.float32) * (2.0 / (H + H)) ** 0.5
    b_ji = jnp.zeros((H,), dtype=jnp.float32)
    W_bil = jax.random.normal(ks[9], (H, NB, H), dtype=jnp.float32) * (2.0 / H)
    W_lin = jax.random.normal(ks[10], (H, H), dtype=jnp.float32) * (2.0 / (H + H)) ** 0.5
    b_lin = jnp.zeros((H,), dtype=jnp.float32)
    return {
        'x': x, 'rbf': rbf, 'sbf': sbf, 'idx_kj': idx_kj, 'idx_ji': idx_ji,
        'W_rbf': W_rbf, 'W_sbf': W_sbf, 'W_kj': W_kj, 'b_kj': b_kj,
        'W_ji': W_ji, 'b_ji': b_ji, 'W_bil': W_bil, 'W_lin': W_lin, 'b_lin': b_lin,
    }


def reference(x, rbf, sbf, idx_kj, idx_ji, W_rbf, W_sbf, W_kj, b_kj, W_ji, b_ji, W_bil, W_lin, b_lin):
    rbf_h = rbf @ W_rbf                       # [E, H]
    sbf_h = sbf @ W_sbf                       # [T, NB]
    x_ji = swish(x @ W_ji + b_ji)             # [E, H]
    x_kj = swish(x @ W_kj + b_kj)             # [E, H]
    x_kj = x_kj * rbf_h                       # [E, H]
    x_kj_g = jnp.take(x_kj, idx_kj, axis=0)   # gather -> [T, H]
    x_kj_t = jnp.einsum('wj,wl,ijl->wi', sbf_h, x_kj_g, W_bil)  # [T, H]
    x_kj_agg = jax.ops.segment_sum(x_kj_t, idx_ji, num_segments=x.shape[0])  # scatter-add -> [E, H]
    h = x_ji + x_kj_agg
    h = swish(h @ W_lin + b_lin)
    return h


if False:  # reference __main__ guard neutralized (emitter)
    inp = setup_inputs()
    out = reference(**inp)
    print(out.shape, out.dtype)

if __name__ == "__main__":
    import jax
    _d = setup_inputs()
    print(jax.jit(kernel)(*tuple(_d.values())))

</pallas_src>

<mosaic_0001>
#map = affine_map<(d0, d1) -> (0, 0, 0, 0)>
#map1 = affine_map<(d0, d1) -> (0, 0)>
module attributes {stable_mosaic.version = 14 : i64} {
  func.func @_gather_body(%arg0: i32, %arg1: i32, %arg2: memref<32x25x5x120xi32, #tpu.memory_space<hbm>>, %arg3: memref<160000x128xf32, #tpu.memory_space<hbm>>, %arg4: memref<480000x128xf32, #tpu.memory_space<hbm>>, %arg5: memref<5x120xi32, #tpu.memory_space<vmem>>, %arg6: memref<600x128xf32, #tpu.memory_space<vmem>>, %arg7: memref<!tpu.dma_semaphore, #tpu.memory_space<semaphore_mem>>) attributes {dimension_semantics = [#tpu.dimension_semantics<core_parallel>, #tpu.dimension_semantics<subcore_parallel>], iteration_bounds = array<i64: 2, 16>, scalar_prefetch = 0 : i64, scratch_operands = 3 : i64, tpu.core_type = #tpu.core_type<sc_vector_subcore>, window_params = [{transform_indices = #map}, {transform_indices = #map1}, {transform_indices = #map1}]} {
    %mul3A = arith.constant 2 : i32
    %mul3A_0 = arith.muli %arg1, %mul3A : i32
    %add3A = arith.addi %mul3A_0, %arg0 : i32
    %scan3A = arith.constant 0 : i32
    %scan3A_1 = arith.constant 0 : i32
    %scan3A_2 = arith.constant 25 : i32
    %scan3A_3 = arith.addi %scan3A_1, %scan3A_2 : i32
    %scan3A_4 = arith.constant 1 : i32
    scf.for %scan3A_6 = %scan3A_1 to %scan3A_3 step %scan3A_4  : i32 {
      "tpu.region"() ({
        %run_scoped3A = tpu.sem_alloc : memref<!tpu.dma_semaphore, #tpu.memory_space<semaphore_mem>>
        %dma_start3A_110 = arith.constant 0 : i32
        %dma_start3A_111 = arith.constant 0 : i32
        %dma_start3A_112 = tpu.memref_slice %arg2[%add3A, %scan3A_6, %dma_start3A_110, %dma_start3A_111] : memref<32x25x5x120xi32, #tpu.memory_space<hbm>> -> memref<1x1x5x120xi32, #tpu.memory_space<hbm>>
        %dma_start3A_113 = tpu.memref_squeeze %dma_start3A_112 : memref<1x1x5x120xi32, #tpu.memory_space<hbm>> -> memref<5x120xi32, #tpu.memory_space<hbm>>
        %dma_start3A_114 = arith.constant 0 : i32
        %dma_start3A_115 = arith.constant 0 : i32
        %dma_start3A_116 = tpu.memref_slice %arg2[%add3A, %scan3A_6, %dma_start3A_114, %dma_start3A_115] : memref<32x25x5x120xi32, #tpu.memory_space<hbm>> -> memref<1x1x5x120xi32, #tpu.memory_space<hbm>>
        %dma_start3A_117 = tpu.memref_squeeze %dma_start3A_116 : memref<1x1x5x120xi32, #tpu.memory_space<hbm>> -> memref<5x120xi32, #tpu.memory_space<hbm>>
        tpu.enqueue_dma source(%dma_start3A_117 : memref<5x120xi32, #tpu.memory_space<hbm>>) target(%arg5 : memref<5x120xi32, #tpu.memory_space<vmem>>) target_semaphore(%run_scoped3A : memref<!tpu.dma_semaphore, #tpu.memory_space<semaphore_mem>>)
        %dma_wait3A_118 = arith.constant 0 : i32
        %dma_wait3A_119 = arith.constant 0 : i32
        %dma_wait3A_120 = tpu.memref_slice %arg2[%add3A, %scan3A_6, %dma_wait3A_118, %dma_wait3A_119] : memref<32x25x5x120xi32, #tpu.memory_space<hbm>> -> memref<1x1x5x120xi32, #tpu.memory_space<hbm>>
        %dma_wait3A_121 = tpu.memref_squeeze %dma_wait3A_120 : memref<1x1x5x120xi32, #tpu.memory_space<hbm>> -> memref<5x120xi32, #tpu.memory_space<hbm>>
        %dma_wait3A_122 = arith.constant 0 : i32
        %dma_wait3A_123 = arith.constant 0 : i32
        %dma_wait3A_124 = tpu.memref_slice %arg2[%add3A, %scan3A_6, %dma_wait3A_122, %dma_wait3A_123] : memref<32x25x5x120xi32, #tpu.memory_space<hbm>> -> memref<1x1x5x120xi32, #tpu.memory_space<hbm>>
        %dma_wait3A_125 = tpu.memref_squeeze %dma_wait3A_124 : memref<1x1x5x120xi32, #tpu.memory_space<hbm>> -> memref<5x120xi32, #tpu.memory_space<hbm>>
        tpu.wait_dma2 semaphore(%run_scoped3A : memref<!tpu.dma_semaphore, #tpu.memory_space<semaphore_mem>>) src(%dma_wait3A_125 : memref<5x120xi32, #tpu.memory_space<hbm>>) dst(%arg5 : memref<5x120xi32, #tpu.memory_space<vmem>>)
        tpu.yield
      }) : () -> ()
      %dma_start3A = arith.constant 0 : i32
      %dma_start3A_7 = arith.constant 0 : i32
      %dma_start3A_8 = arith.constant 0 : i32
      %dma_start3A_9 = tpu.memref_slice %arg6[%dma_start3A_7, %dma_start3A_8] : memref<600x128xf32, #tpu.memory_space<vmem>> -> memref<120x128xf32, #tpu.memory_space<vmem>>
      %dma_start3A_10 = arith.constant 0 : i32
      %dma_start3A_11 = tpu.memref_slice %arg5[%dma_start3A, %dma_start3A_10] : memref<5x120xi32, #tpu.memory_space<vmem>> -> memref<1x120xi32, #tpu.memory_space<vmem>>
      %dma_start3A_12 = tpu.memref_squeeze %dma_start3A_11 : memref<1x120xi32, #tpu.memory_space<vmem>> -> memref<120xi32, #tpu.memory_space<vmem>>
      %dma_start3A_13 = arith.constant 0 : i32
      %dma_start3A_14 = arith.constant 0 : i32
      %dma_start3A_15 = tpu.memref_slice %arg3[%dma_start3A_13, %dma_start3A_14] : memref<160000x128xf32, #tpu.memory_space<hbm>> -> memref<160000x128xf32, #tpu.memory_space<hbm>>
      tpu.enqueue_indirect_dma source(%dma_start3A_15 : memref<160000x128xf32, #tpu.memory_space<hbm>>) target(%dma_start3A_9 : memref<120x128xf32, #tpu.memory_space<vmem>>) offsets(%dma_start3A_12 : memref<120xi32, #tpu.memory_space<vmem>>) semaphore(%arg7 : memref<!tpu.dma_semaphore, #tpu.memory_space<semaphore_mem>>)
      %dma_start3A_16 = arith.constant 1 : i32
      %dma_start3A_17 = arith.constant 120 : i32
      %dma_start3A_18 = arith.constant 0 : i32
      %dma_start3A_19 = tpu.memref_slice %arg6[%dma_start3A_17, %dma_start3A_18] : memref<600x128xf32, #tpu.memory_space<vmem>> -> memref<120x128xf32, #tpu.memory_space<vmem>>
      %dma_start3A_20 = arith.constant 0 : i32
      %dma_start3A_21 = tpu.memref_slice %arg5[%dma_start3A_16, %dma_start3A_20] : memref<5x120xi32, #tpu.memory_space<vmem>> -> memref<1x120xi32, #tpu.memory_space<vmem>>
      %dma_start3A_22 = tpu.memref_squeeze %dma_start3A_21 : memref<1x120xi32, #tpu.memory_space<vmem>> -> memref<120xi32, #tpu.memory_space<vmem>>
      %dma_start3A_23 = arith.constant 0 : i32
      %dma_start3A_24 = arith.constant 0 : i32
      %dma_start3A_25 = tpu.memref_slice %arg3[%dma_start3A_23, %dma_start3A_24] : memref<160000x128xf32, #tpu.memory_space<hbm>> -> memref<160000x128xf32, #tpu.memory_space<hbm>>
      tpu.enqueue_indirect_dma source(%dma_start3A_25 : memref<160000x128xf32, #tpu.memory_space<hbm>>) target(%dma_start3A_19 : memref<120x128xf32, #tpu.memory_space<vmem>>) offsets(%dma_start3A_22 : memref<120xi32, #tpu.memory_space<vmem>>) semaphore(%arg7 : memref<!tpu.dma_semaphore, #tpu.memory_space<semaphore_mem>>)
      %dma_start3A_26 = arith.constant 2 : i32
      %dma_start3A_27 = arith.constant 240 : i32
      %dma_start3A_28 = arith.constant 0 : i32
      %dma_start3A_29 = tpu.memref_slice %arg6[%dma_start3A_27, %dma_start3A_28] : memref<600x128xf32, #tpu.memory_space<vmem>> -> memref<120x128xf32, #tpu.memory_space<vmem>>
      %dma_start3A_30 = arith.constant 0 : i32
      %dma_start3A_31 = tpu.memref_slice %arg5[%dma_start3A_26, %dma_start3A_30] : memref<5x120xi32, #tpu.memory_space<vmem>> -> memref<1x120xi32, #tpu.memory_space<vmem>>
      %dma_start3A_32 = tpu.memref_squeeze %dma_start3A_31 : memref<1x120xi32, #tpu.memory_space<vmem>> -> memref<120xi32, #tpu.memory_space<vmem>>
      %dma_start3A_33 = arith.constant 0 : i32
      %dma_start3A_34 = arith.constant 0 : i32
      %dma_start3A_35 = tpu.memref_slice %arg3[%dma_start3A_33, %dma_start3A_34] : memref<160000x128xf32, #tpu.memory_space<hbm>> -> memref<160000x128xf32, #tpu.memory_space<hbm>>
      tpu.enqueue_indirect_dma source(%dma_start3A_35 : memref<160000x128xf32, #tpu.memory_space<hbm>>) target(%dma_start3A_29 : memref<120x128xf32, #tpu.memory_space<vmem>>) offsets(%dma_start3A_32 : memref<120xi32, #tpu.memory_space<vmem>>) semaphore(%arg7 : memref<!tpu.dma_semaphore, #tpu.memory_space<semaphore_mem>>)
      %dma_start3A_36 = arith.constant 3 : i32
      %dma_start3A_37 = arith.constant 360 : i32
      %dma_start3A_38 = arith.constant 0 : i32
      %dma_start3A_39 = tpu.memref_slice %arg6[%dma_start3A_37, %dma_start3A_38] : memref<600x128xf32, #tpu.memory_space<vmem>> -> memref<120x128xf32, #tpu.memory_space<vmem>>
      %dma_start3A_40 = arith.constant 0 : i32
      %dma_start3A_41 = tpu.memref_slice %arg5[%dma_start3A_36, %dma_start3A_40] : memref<5x120xi32, #tpu.memory_space<vmem>> -> memref<1x120xi32, #tpu.memory_space<vmem>>
      %dma_start3A_42 = tpu.memref_squeeze %dma_start3A_41 : memref<1x120xi32, #tpu.memory_space<vmem>> -> memref<120xi32, #tpu.memory_space<vmem>>
      %dma_start3A_43 = arith.constant 0 : i32
      %dma_start3A_44 = arith.constant 0 : i32
      %dma_start3A_45 = tpu.memref_slice %arg3[%dma_start3A_43, %dma_start3A_44] : memref<160000x128xf32, #tpu.memory_space<hbm>> -> memref<160000x128xf32, #tpu.memory_space<hbm>>
      tpu.enqueue_indirect_dma source(%dma_start3A_45 : memref<160000x128xf32, #tpu.memory_space<hbm>>) target(%dma_start3A_39 : memref<120x128xf32, #tpu.memory_space<vmem>>) offsets(%dma_start3A_42 : memref<120xi32, #tpu.memory_space<vmem>>) semaphore(%arg7 : memref<!tpu.dma_semaphore, #tpu.memory_space<semaphore_mem>>)
      %dma_start3A_46 = arith.constant 4 : i32
      %dma_start3A_47 = arith.constant 480 : i32
      %dma_start3A_48 = arith.constant 0 : i32
      %dma_start3A_49 = tpu.memref_slice %arg6[%dma_start3A_47, %dma_start3A_48] : memref<600x128xf32, #tpu.memory_space<vmem>> -> memref<120x128xf32, #tpu.memory_space<vmem>>
      %dma_start3A_50 = arith.constant 0 : i32
      %dma_start3A_51 = tpu.memref_slice %arg5[%dma_start3A_46, %dma_start3A_50] : memref<5x120xi32, #tpu.memory_space<vmem>> -> memref<1x120xi32, #tpu.memory_space<vmem>>
      %dma_start3A_52 = tpu.memref_squeeze %dma_start3A_51 : memref<1x120xi32, #tpu.memory_space<vmem>> -> memref<120xi32, #tpu.memory_space<vmem>>
      %dma_start3A_53 = arith.constant 0 : i32
      %dma_start3A_54 = arith.constant 0 : i32
      %dma_start3A_55 = tpu.memref_slice %arg3[%dma_start3A_53, %dma_start3A_54] : memref<160000x128xf32, #tpu.memory_space<hbm>> -> memref<160000x128xf32, #tpu.memory_space<hbm>>
      tpu.enqueue_indirect_dma source(%dma_start3A_55 : memref<160000x128xf32, #tpu.memory_space<hbm>>) target(%dma_start3A_49 : memref<120x128xf32, #tpu.memory_space<vmem>>) offsets(%dma_start3A_52 : memref<120xi32, #tpu.memory_space<vmem>>) semaphore(%arg7 : memref<!tpu.dma_semaphore, #tpu.memory_space<semaphore_mem>>)
      %dma_wait3A = arith.constant 0 : i32
      %dma_wait3A_56 = arith.constant 0 : i32
      %dma_wait3A_57 = arith.constant 0 : i32
      %dma_wait3A_58 = tpu.memref_slice %arg6[%dma_wait3A_56, %dma_wait3A_57] : memref<600x128xf32, #tpu.memory_space<vmem>> -> memref<120x128xf32, #tpu.memory_space<vmem>>
      %dma_wait3A_59 = arith.constant 0 : i32
      %dma_wait3A_60 = tpu.memref_slice %arg5[%dma_wait3A, %dma_wait3A_59] : memref<5x120xi32, #tpu.memory_space<vmem>> -> memref<1x120xi32, #tpu.memory_space<vmem>>
      %dma_wait3A_61 = tpu.memref_squeeze %dma_wait3A_60 : memref<1x120xi32, #tpu.memory_space<vmem>> -> memref<120xi32, #tpu.memory_space<vmem>>
      %dma_wait3A_62 = arith.constant 0 : i32
      %dma_wait3A_63 = arith.constant 0 : i32
      %dma_wait3A_64 = tpu.memref_slice %arg3[%dma_wait3A_62, %dma_wait3A_63] : memref<160000x128xf32, #tpu.memory_space<hbm>> -> memref<160000x128xf32, #tpu.memory_space<hbm>>
      tpu.wait_indirect_dma semaphore(%arg7 : memref<!tpu.dma_semaphore, #tpu.memory_space<semaphore_mem>>) src(%dma_wait3A_64 : memref<160000x128xf32, #tpu.memory_space<hbm>>) dst(%dma_wait3A_58 : memref<120x128xf32, #tpu.memory_space<vmem>>)
      %dma_wait3A_65 = arith.constant 1 : i32
      %dma_wait3A_66 = arith.constant 120 : i32
      %dma_wait3A_67 = arith.constant 0 : i32
      %dma_wait3A_68 = tpu.memref_slice %arg6[%dma_wait3A_66, %dma_wait3A_67] : memref<600x128xf32, #tpu.memory_space<vmem>> -> memref<120x128xf32, #tpu.memory_space<vmem>>
      %dma_wait3A_69 = arith.constant 0 : i32
      %dma_wait3A_70 = tpu.memref_slice %arg5[%dma_wait3A_65, %dma_wait3A_69] : memref<5x120xi32, #tpu.memory_space<vmem>> -> memref<1x120xi32, #tpu.memory_space<vmem>>
      %dma_wait3A_71 = tpu.memref_squeeze %dma_wait3A_70 : memref<1x120xi32, #tpu.memory_space<vmem>> -> memref<120xi32, #tpu.memory_space<vmem>>
      %dma_wait3A_72 = arith.constant 0 : i32
      %dma_wait3A_73 = arith.constant 0 : i32
      %dma_wait3A_74 = tpu.memref_slice %arg3[%dma_wait3A_72, %dma_wait3A_73] : memref<160000x128xf32, #tpu.memory_space<hbm>> -> memref<160000x128xf32, #tpu.memory_space<hbm>>
      tpu.wait_indirect_dma semaphore(%arg7 : memref<!tpu.dma_semaphore, #tpu.memory_space<semaphore_mem>>) src(%dma_wait3A_74 : memref<160000x128xf32, #tpu.memory_space<hbm>>) dst(%dma_wait3A_68 : memref<120x128xf32, #tpu.memory_space<vmem>>)
      %dma_wait3A_75 = arith.constant 2 : i32
      %dma_wait3A_76 = arith.constant 240 : i32
      %dma_wait3A_77 = arith.constant 0 : i32
      %dma_wait3A_78 = tpu.memref_slice %arg6[%dma_wait3A_76, %dma_wait3A_77] : memref<600x128xf32, #tpu.memory_space<vmem>> -> memref<120x128xf32, #tpu.memory_space<vmem>>
      %dma_wait3A_79 = arith.constant 0 : i32
      %dma_wait3A_80 = tpu.memref_slice %arg5[%dma_wait3A_75, %dma_wait3A_79] : memref<5x120xi32, #tpu.memory_space<vmem>> -> memref<1x120xi32, #tpu.memory_space<vmem>>
      %dma_wait3A_81 = tpu.memref_squeeze %dma_wait3A_80 : memref<1x120xi32, #tpu.memory_space<vmem>> -> memref<120xi32, #tpu.memory_space<vmem>>
      %dma_wait3A_82 = arith.constant 0 : i32
      %dma_wait3A_83 = arith.constant 0 : i32
      %dma_wait3A_84 = tpu.memref_slice %arg3[%dma_wait3A_82, %dma_wait3A_83] : memref<160000x128xf32, #tpu.memory_space<hbm>> -> memref<160000x128xf32, #tpu.memory_space<hbm>>
      tpu.wait_indirect_dma semaphore(%arg7 : memref<!tpu.dma_semaphore, #tpu.memory_space<semaphore_mem>>) src(%dma_wait3A_84 : memref<160000x128xf32, #tpu.memory_space<hbm>>) dst(%dma_wait3A_78 : memref<120x128xf32, #tpu.memory_space<vmem>>)
      %dma_wait3A_85 = arith.constant 3 : i32
      %dma_wait3A_86 = arith.constant 360 : i32
      %dma_wait3A_87 = arith.constant 0 : i32
      %dma_wait3A_88 = tpu.memref_slice %arg6[%dma_wait3A_86, %dma_wait3A_87] : memref<600x128xf32, #tpu.memory_space<vmem>> -> memref<120x128xf32, #tpu.memory_space<vmem>>
      %dma_wait3A_89 = arith.constant 0 : i32
      %dma_wait3A_90 = tpu.memref_slice %arg5[%dma_wait3A_85, %dma_wait3A_89] : memref<5x120xi32, #tpu.memory_space<vmem>> -> memref<1x120xi32, #tpu.memory_space<vmem>>
      %dma_wait3A_91 = tpu.memref_squeeze %dma_wait3A_90 : memref<1x120xi32, #tpu.memory_space<vmem>> -> memref<120xi32, #tpu.memory_space<vmem>>
      %dma_wait3A_92 = arith.constant 0 : i32
      %dma_wait3A_93 = arith.constant 0 : i32
      %dma_wait3A_94 = tpu.memref_slice %arg3[%dma_wait3A_92, %dma_wait3A_93] : memref<160000x128xf32, #tpu.memory_space<hbm>> -> memref<160000x128xf32, #tpu.memory_space<hbm>>
      tpu.wait_indirect_dma semaphore(%arg7 : memref<!tpu.dma_semaphore, #tpu.memory_space<semaphore_mem>>) src(%dma_wait3A_94 : memref<160000x128xf32, #tpu.memory_space<hbm>>) dst(%dma_wait3A_88 : memref<120x128xf32, #tpu.memory_space<vmem>>)
      %dma_wait3A_95 = arith.constant 4 : i32
      %dma_wait3A_96 = arith.constant 480 : i32
      %dma_wait3A_97 = arith.constant 0 : i32
      %dma_wait3A_98 = tpu.memref_slice %arg6[%dma_wait3A_96, %dma_wait3A_97] : memref<600x128xf32, #tpu.memory_space<vmem>> -> memref<120x128xf32, #tpu.memory_space<vmem>>
      %dma_wait3A_99 = arith.constant 0 : i32
      %dma_wait3A_100 = tpu.memref_slice %arg5[%dma_wait3A_95, %dma_wait3A_99] : memref<5x120xi32, #tpu.memory_space<vmem>> -> memref<1x120xi32, #tpu.memory_space<vmem>>
      %dma_wait3A_101 = tpu.memref_squeeze %dma_wait3A_100 : memref<1x120xi32, #tpu.memory_space<vmem>> -> memref<120xi32, #tpu.memory_space<vmem>>
      %dma_wait3A_102 = arith.constant 0 : i32
      %dma_wait3A_103 = arith.constant 0 : i32
      %dma_wait3A_104 = tpu.memref_slice %arg3[%dma_wait3A_102, %dma_wait3A_103] : memref<160000x128xf32, #tpu.memory_space<hbm>> -> memref<160000x128xf32, #tpu.memory_space<hbm>>
      tpu.wait_indirect_dma semaphore(%arg7 : memref<!tpu.dma_semaphore, #tpu.memory_space<semaphore_mem>>) src(%dma_wait3A_104 : memref<160000x128xf32, #tpu.memory_space<hbm>>) dst(%dma_wait3A_98 : memref<120x128xf32, #tpu.memory_space<vmem>>)
      %mul3A_105 = arith.constant 25 : i32
      %mul3A_106 = arith.muli %add3A, %mul3A_105 : i32
      %add3A_107 = arith.addi %mul3A_106, %scan3A_6 : i32
      %mul3A_108 = arith.constant 600 : i32
      %mul3A_109 = arith.muli %add3A_107, %mul3A_108 : i32
      "tpu.region"() ({
        %run_scoped3A = tpu.sem_alloc : memref<!tpu.dma_semaphore, #tpu.memory_space<semaphore_mem>>
        %dma_start3A_110 = arith.constant 0 : i32
        %dma_start3A_111 = tpu.memref_slice %arg4[%mul3A_109, %dma_start3A_110] : memref<480000x128xf32, #tpu.memory_space<hbm>> -> memref<600x128xf32, #tpu.memory_space<hbm>>
        %dma_start3A_112 = arith.constant 0 : i32
        %dma_start3A_113 = tpu.memref_slice %arg4[%mul3A_109, %dma_start3A_112] : memref<480000x128xf32, #tpu.memory_space<hbm>> -> memref<600x128xf32, #tpu.memory_space<hbm>>
        tpu.enqueue_dma source(%arg6 : memref<600x128xf32, #tpu.memory_space<vmem>>) target(%dma_start3A_113 : memref<600x128xf32, #tpu.memory_space<hbm>>) target_semaphore(%run_scoped3A : memref<!tpu.dma_semaphore, #tpu.memory_space<semaphore_mem>>)
        %dma_wait3A_114 = arith.constant 0 : i32
        %dma_wait3A_115 = tpu.memref_slice %arg4[%mul3A_109, %dma_wait3A_114] : memref<480000x128xf32, #tpu.memory_space<hbm>> -> memref<600x128xf32, #tpu.memory_space<hbm>>
        %dma_wait3A_116 = arith.constant 0 : i32
        %dma_wait3A_117 = tpu.memref_slice %arg4[%mul3A_109, %dma_wait3A_116] : memref<480000x128xf32, #tpu.memory_space<hbm>> -> memref<600x128xf32, #tpu.memory_space<hbm>>
        tpu.wait_dma2 semaphore(%run_scoped3A : memref<!tpu.dma_semaphore, #tpu.memory_space<semaphore_mem>>) src(%arg6 : memref<600x128xf32, #tpu.memory_space<vmem>>) dst(%dma_wait3A_117 : memref<600x128xf32, #tpu.memory_space<hbm>>)
        tpu.yield
      }) : () -> ()
    }
    %scan3A_5 = arith.constant 25 : i32
    return
  }
}

#map = affine_map<(d0, d1) -> (0, 0, 0)>
#map1 = affine_map<(d0, d1) -> (0, 0)>
module attributes {stable_mosaic.version = 14 : i64} {
  func.func @_scatter_body(%arg0: i32, %arg1: i32, %arg2: memref<16x25x1200xi32, #tpu.memory_space<hbm>>, %arg3: memref<480000x128xf32, #tpu.memory_space<hbm>>, %arg4: memref<160000x128xf32, #tpu.memory_space<hbm>>, %arg5: memref<160000x128xf32, #tpu.memory_space<hbm>>, %arg6: memref<1200xi32, #tpu.memory_space<vmem>>, %arg7: memref<256xi32, #tpu.memory_space<vmem>>, %arg8: memref<256xi32, #tpu.memory_space<vmem>>, %arg9: memref<4x128xi32, #tpu.memory_space<vmem>>, %arg10: memref<2x128x128xf32, #tpu.memory_space<vmem>>, %arg11: memref<10008x128xf32, #tpu.memory_space<vmem_shared>>, %arg12: memref<!tpu.dma_semaphore, #tpu.memory_space<semaphore_mem>>, %arg13: memref<!tpu.dma_semaphore, #tpu.memory_space<semaphore_mem>>) attributes {dimension_semantics = [#tpu.dimension_semantics<core_parallel>, #tpu.dimension_semantics<subcore_parallel>], iteration_bounds = array<i64: 2, 16>, scalar_prefetch = 0 : i64, scratch_operands = 8 : i64, tpu.core_type = #tpu.core_type<sc_vector_subcore>, window_params = [{transform_indices = #map}, {transform_indices = #map1}, {transform_indices = #map1}, {transform_indices = #map1}]} {
    %broadcast_in_dim3A = arith.constant 10000 : i32
    %broadcast_in_dim3A_0 = vector.broadcast %broadcast_in_dim3A : i32 to vector<16xi32>
    %broadcast_in_dim3A_1 = arith.constant 0 : i32
    %broadcast_in_dim3A_2 = vector.broadcast %broadcast_in_dim3A_1 : i32 to vector<16xi32>
    %iota3A = tpu.iota {dimensions = array<i32: 0>} : vector<16xi32>
    %scan3A = arith.constant 0 : i32
    %scan3A_3 = arith.constant 0 : i32
    %scan3A_4 = arith.constant 8 : i32
    %scan3A_5 = arith.addi %scan3A_3, %scan3A_4 : i32
    %scan3A_6 = arith.constant 1 : i32
    scf.for %scan3A_8 = %scan3A_3 to %scan3A_5 step %scan3A_6  : i32 {
      %mul3A = arith.constant 8 : i32
      %mul3A_9 = arith.muli %arg0, %mul3A : i32
      %add3A = arith.addi %mul3A_9, %scan3A_8 : i32
      %mul3A_10 = arith.constant 10000 : i32
      %mul3A_11 = arith.muli %add3A, %mul3A_10 : i32
      %scan3A_12 = arith.constant 0 : i32
      %scan3A_13 = arith.constant 0 : i32
      %scan3A_14 = arith.constant 8 : i32
      %scan3A_15 = arith.addi %scan3A_13, %scan3A_14 : i32
      %scan3A_16 = arith.constant 1 : i32
      scf.for %scan3A_220 = %scan3A_13 to %scan3A_15 step %scan3A_16  : i32 {
        %mul3A_221 = arith.constant 16 : i32
        %mul3A_222 = arith.muli %scan3A_220, %mul3A_221 : i32
        %add3A_223 = arith.addi %arg1, %mul3A_222 : i32
        %lt3A_224 = arith.constant 125 : i32
        %lt3A_225 = arith.cmpi slt, %add3A_223, %lt3A_224 : i32
        %convert_element_type3A_226 = arith.extui %lt3A_225 : i1 to i32
        %cond3A_227 = arith.constant 0 : i32
        %cond3A_228 = arith.cmpi ne, %convert_element_type3A_226, %cond3A_227 : i32
        scf.if %cond3A_228 {
          %mul3A_229 = arith.constant 80 : i32
          %mul3A_230 = arith.muli %add3A_223, %mul3A_229 : i32
          %add3A_231 = arith.addi %mul3A_11, %mul3A_230 : i32
          "tpu.region"() ({
            %run_scoped3A = tpu.sem_alloc : memref<!tpu.dma_semaphore, #tpu.memory_space<semaphore_mem>>
            %dma_start3A_232 = arith.constant 0 : i32
            %dma_start3A_233 = tpu.memref_slice %arg11[%mul3A_230, %dma_start3A_232] : memref<10008x128xf32, #tpu.memory_space<vmem_shared>> -> memref<80x128xf32, #tpu.memory_space<vmem_shared>>
            %dma_start3A_234 = arith.constant 0 : i32
            %dma_start3A_235 = tpu.memref_slice %arg4[%add3A_231, %dma_start3A_234] : memref<160000x128xf32, #tpu.memory_space<hbm>> -> memref<80x128xf32, #tpu.memory_space<hbm>>
            tpu.enqueue_dma source(%dma_start3A_235 : memref<80x128xf32, #tpu.memory_space<hbm>>) target(%dma_start3A_233 : memref<80x128xf32, #tpu.memory_space<vmem_shared>>) target_semaphore(%run_scoped3A : memref<!tpu.dma_semaphore, #tpu.memory_space<semaphore_mem>>)
            %dma_wait3A_236 = arith.constant 0 : i32
            %dma_wait3A_237 = tpu.memref_slice %arg11[%mul3A_230, %dma_wait3A_236] : memref<10008x128xf32, #tpu.memory_space<vmem_shared>> -> memref<80x128xf32, #tpu.memory_space<vmem_shared>>
            %dma_wait3A_238 = arith.constant 0 : i32
            %dma_wait3A_239 = tpu.memref_slice %arg4[%add3A_231, %dma_wait3A_238] : memref<160000x128xf32, #tpu.memory_space<hbm>> -> memref<80x128xf32, #tpu.memory_space<hbm>>
            tpu.wait_dma2 semaphore(%run_scoped3A : memref<!tpu.dma_semaphore, #tpu.memory_space<semaphore_mem>>) src(%dma_wait3A_239 : memref<80x128xf32, #tpu.memory_space<hbm>>) dst(%dma_wait3A_237 : memref<80x128xf32, #tpu.memory_space<vmem_shared>>)
            tpu.yield
          }) : () -> ()
        } else {
        }
      }
      %scan3A_17 = arith.constant 8 : i32
      %barrier3A = arith.constant 0 : index
      tpu.barrier barrier_id(%barrier3A)
      %scan3A_18 = arith.constant 0 : i32
      %scan3A_19 = arith.constant 0 : i32
      %scan3A_20 = arith.constant 0 : i32
      %scan3A_21 = arith.constant 25 : i32
      %scan3A_22 = arith.addi %scan3A_20, %scan3A_21 : i32
      %scan3A_23 = arith.constant 1 : i32
      %scan3A_24:2 = scf.for %scan3A_220 = %scan3A_20 to %scan3A_22 step %scan3A_23 iter_args(%scan3A_221 = %scan3A_18, %scan3A_222 = %scan3A_19) -> (i32, i32)  : i32 {
        "tpu.region"() ({
          %run_scoped3A = tpu.sem_alloc : memref<!tpu.dma_semaphore, #tpu.memory_space<semaphore_mem>>
          %dma_start3A_229 = arith.constant 0 : i32
          %dma_start3A_230 = tpu.memref_slice %arg2[%arg1, %scan3A_220, %dma_start3A_229] : memref<16x25x1200xi32, #tpu.memory_space<hbm>> -> memref<1x1x1200xi32, #tpu.memory_space<hbm>>
          %dma_start3A_231 = tpu.memref_squeeze %dma_start3A_230 : memref<1x1x1200xi32, #tpu.memory_space<hbm>> -> memref<1200xi32, #tpu.memory_space<hbm>>
          %dma_start3A_232 = arith.constant 0 : i32
          %dma_start3A_233 = tpu.memref_slice %arg2[%arg1, %scan3A_220, %dma_start3A_232] : memref<16x25x1200xi32, #tpu.memory_space<hbm>> -> memref<1x1x1200xi32, #tpu.memory_space<hbm>>
          %dma_start3A_234 = tpu.memref_squeeze %dma_start3A_233 : memref<1x1x1200xi32, #tpu.memory_space<hbm>> -> memref<1200xi32, #tpu.memory_space<hbm>>
          tpu.enqueue_dma source(%dma_start3A_234 : memref<1200xi32, #tpu.memory_space<hbm>>) target(%arg6 : memref<1200xi32, #tpu.memory_space<vmem>>) target_semaphore(%run_scoped3A : memref<!tpu.dma_semaphore, #tpu.memory_space<semaphore_mem>>)
          %dma_wait3A_235 = arith.constant 0 : i32
          %dma_wait3A_236 = tpu.memref_slice %arg2[%arg1, %scan3A_220, %dma_wait3A_235] : memref<16x25x1200xi32, #tpu.memory_space<hbm>> -> memref<1x1x1200xi32, #tpu.memory_space<hbm>>
          %dma_wait3A_237 = tpu.memref_squeeze %dma_wait3A_236 : memref<1x1x1200xi32, #tpu.memory_space<hbm>> -> memref<1200xi32, #tpu.memory_space<hbm>>
          %dma_wait3A_238 = arith.constant 0 : i32
          %dma_wait3A_239 = tpu.memref_slice %arg2[%arg1, %scan3A_220, %dma_wait3A_238] : memref<16x25x1200xi32, #tpu.memory_space<hbm>> -> memref<1x1x1200xi32, #tpu.memory_space<hbm>>
          %dma_wait3A_240 = tpu.memref_squeeze %dma_wait3A_239 : memref<1x1x1200xi32, #tpu.memory_space<hbm>> -> memref<1200xi32, #tpu.memory_space<hbm>>
          tpu.wait_dma2 semaphore(%run_scoped3A : memref<!tpu.dma_semaphore, #tpu.memory_space<semaphore_mem>>) src(%dma_wait3A_240 : memref<1200xi32, #tpu.memory_space<hbm>>) dst(%arg6 : memref<1200xi32, #tpu.memory_space<vmem>>)
          tpu.yield
        }) : () -> ()
        %scan3A_223 = arith.constant 0 : i32
        %scan3A_224 = arith.constant 75 : i32
        %scan3A_225 = arith.addi %scan3A_223, %scan3A_224 : i32
        %scan3A_226 = arith.constant 1 : i32
        %scan3A_227:2 = scf.for %scan3A_229 = %scan3A_223 to %scan3A_225 step %scan3A_226 iter_args(%scan3A_230 = %scan3A_221, %scan3A_231 = %scan3A_222) -> (i32, i32)  : i32 {
          %mul3A_232 = arith.constant 16 : i32
          %mul3A_233 = arith.muli %scan3A_229, %mul3A_232 : i32
          %get3A_234 = arith.index_cast %mul3A_233 : i32 to index
          %get3A_235 = tpu.vector_load %arg6[%get3A_234] {strides = array<i32>} : memref<1200xi32, #tpu.memory_space<vmem>>, vector<16xi32>,
          %ge3A_236 = vector.broadcast %mul3A_11 : i32 to vector<16xi32>
          %ge3A_237 = arith.cmpi sge, %get3A_235, %ge3A_236 : vector<16xi32>
          %add3A_238 = arith.constant 10000 : i32
          %add3A_239 = arith.addi %mul3A_11, %add3A_238 : i32
          %lt3A_240 = vector.broadcast %add3A_239 : i32 to vector<16xi32>
          %lt3A_241 = arith.cmpi slt, %get3A_235, %lt3A_240 : vector<16xi32>
          %and3A_242 = arith.andi %ge3A_237, %lt3A_241 : vector<16xi1>
          %mul3A_243 = arith.constant 25 : i32
          %mul3A_244 = arith.muli %arg1, %mul3A_243 : i32
          %add3A_245 = arith.addi %mul3A_244, %scan3A_220 : i32
          %mul3A_246 = arith.constant 1200 : i32
          %mul3A_247 = arith.muli %add3A_245, %mul3A_246 : i32
          %mul3A_248 = arith.constant 16 : i32
          %mul3A_249 = arith.muli %scan3A_229, %mul3A_248 : i32
          %add3A_250 = arith.addi %mul3A_247, %mul3A_249 : i32
          %add3A_251 = vector.broadcast %add3A_250 : i32 to vector<16xi32>
          %add3A_252 = arith.addi %add3A_251, %iota3A : vector<16xi32>
          %sub3A = vector.broadcast %mul3A_11 : i32 to vector<16xi32>
          %sub3A_253 = arith.subi %get3A_235, %sub3A : vector<16xi32>
          %convert_element_type3A_254 = arith.extui %and3A_242 : vector<16xi1> to vector<16xi32>
          %reduce_sum3A = arith.constant true
          %reduce_sum3A_255 = vector.broadcast %reduce_sum3A : i1 to vector<16xi1>
          %reduce_sum3A_256 = tpu.scan <sum>, %convert_element_type3A_254 masked %reduce_sum3A_255 : vector<16xi32>, vector<16xi1> -> vector<16xi32>
          %reduce_sum3A_257 = vector.extract %reduce_sum3A_256[15] : i32 from vector<16xi32>
          %gt3A = arith.constant 0 : i32
          %gt3A_258 = arith.cmpi sgt, %reduce_sum3A_257, %gt3A : i32
          %convert_element_type3A_259 = arith.extui %gt3A_258 : i1 to i32
          %cond3A_260 = arith.constant 0 : i32
          %cond3A_261 = arith.cmpi ne, %convert_element_type3A_259, %cond3A_260 : i32
          scf.if %cond3A_261 {
            %broadcast_in_dim3A_274 = arith.constant true
            %broadcast_in_dim3A_275 = vector.broadcast %broadcast_in_dim3A_274 : i1 to vector<16xi1>
            %masked_cumsum3A = tpu.scan <sum>, %convert_element_type3A_254 masked %broadcast_in_dim3A_275 : vector<16xi32>, vector<16xi1> -> vector<16xi32>
            %add3A_276 = vector.broadcast %scan3A_230 : i32 to vector<16xi32>
            %add3A_277 = arith.addi %add3A_276, %masked_cumsum3A : vector<16xi32>
            %sub3A_278 = arith.subi %add3A_277, %convert_element_type3A_254 : vector<16xi32>
            tpu.vector_store_idx %arg7[%sub3A_278], %add3A_252 masked %and3A_242 : memref<256xi32, #tpu.memory_space<vmem>>[vector<16xi32>], vector<16xi32>, vector<16xi1>
            tpu.vector_store_idx %arg8[%sub3A_278], %sub3A_253 masked %and3A_242 : memref<256xi32, #tpu.memory_space<vmem>>[vector<16xi32>], vector<16xi32>, vector<16xi1>
          } else {
          }
          %add3A_262 = arith.addi %scan3A_230, %reduce_sum3A_257 : i32
          %ge3A_263 = arith.constant 128 : i32
          %ge3A_264 = arith.cmpi sge, %add3A_262, %ge3A_263 : i32
          %convert_element_type3A_265 = arith.extui %ge3A_264 : i1 to i32
          %cond3A_266 = arith.constant 0 : i32
          %cond3A_267 = arith.cmpi ne, %convert_element_type3A_265, %cond3A_266 : i32
          scf.if %cond3A_267 {
            %jit3A_274 = arith.constant 2 : i32
            %eq3A_275 = arith.constant 0 : i32
            %eq3A_276 = arith.cmpi eq, %jit3A_274, %eq3A_275 : i32
            %jit3A_277 = arith.constant 1 : i32
            %select_n3A_278 = arith.select %eq3A_276, %jit3A_277, %jit3A_274 : i32
            %rem3A_279 = arith.remsi %scan3A_231, %select_n3A_278 : i32
            %ne3A_280 = arith.constant 0 : i32
            %ne3A_281 = arith.cmpi ne, %rem3A_279, %ne3A_280 : i32
            %lt3A_282 = arith.constant 0 : i32
            %lt3A_283 = arith.cmpi slt, %rem3A_279, %lt3A_282 : i32
            %lt3A_284 = arith.constant 0 : i32
            %lt3A_285 = arith.cmpi slt, %select_n3A_278, %lt3A_284 : i32
            %ne3A_286 = arith.xori %lt3A_283, %lt3A_285 : i1
            %and3A_287 = arith.andi %ne3A_286, %ne3A_281 : i1
            %add3A_288 = arith.addi %rem3A_279, %select_n3A_278 : i32
            %select_n3A_289 = arith.select %and3A_287, %add3A_288, %rem3A_279 : i32
            %ge3A_290 = arith.constant 1 : i32
            %ge3A_291 = arith.cmpi sge, %scan3A_231, %ge3A_290 : i32
            %convert_element_type3A_292 = arith.extui %ge3A_291 : i1 to i32
            %cond3A_293 = arith.constant 0 : i32
            %cond3A_294 = arith.cmpi ne, %convert_element_type3A_292, %cond3A_293 : i32
            scf.if %cond3A_294 {
              %sub3A_414 = arith.constant 1 : i32
              %sub3A_415 = arith.subi %sub3A_414, %select_n3A_289 : i32
              %dma_wait3A_416 = arith.constant 0 : i32
              %dma_wait3A_417 = arith.constant 0 : i32
              %dma_wait3A_418 = tpu.memref_slice %arg10[%sub3A_415, %dma_wait3A_416, %dma_wait3A_417] : memref<2x128x128xf32, #tpu.memory_space<vmem>> -> memref<1x128x128xf32, #tpu.memory_space<vmem>>
              %dma_wait3A_419 = tpu.memref_squeeze %dma_wait3A_418 : memref<1x128x128xf32, #tpu.memory_space<vmem>> -> memref<128x128xf32, #tpu.memory_space<vmem>>
              %dma_wait3A_420 = arith.constant 0 : i32
              %dma_wait3A_421 = tpu.memref_slice %arg9[%sub3A_415, %dma_wait3A_420] : memref<4x128xi32, #tpu.memory_space<vmem>> -> memref<1x128xi32, #tpu.memory_space<vmem>>
              %dma_wait3A_422 = tpu.memref_squeeze %dma_wait3A_421 : memref<1x128xi32, #tpu.memory_space<vmem>> -> memref<128xi32, #tpu.memory_space<vmem>>
              %dma_wait3A_423 = arith.constant 0 : i32
              %dma_wait3A_424 = arith.constant 0 : i32
              %dma_wait3A_425 = tpu.memref_slice %arg3[%dma_wait3A_423, %dma_wait3A_424] : memref<480000x128xf32, #tpu.memory_space<hbm>> -> memref<480000x128xf32, #tpu.memory_space<hbm>>
              tpu.wait_indirect_dma semaphore(%arg12 : memref<!tpu.dma_semaphore, #tpu.memory_space<semaphore_mem>>) src(%dma_wait3A_425 : memref<480000x128xf32, #tpu.memory_space<hbm>>) dst(%dma_wait3A_419 : memref<128x128xf32, #tpu.memory_space<vmem>>)
              %sub3A_426 = arith.constant 1 : i32
              %sub3A_427 = arith.subi %sub3A_426, %select_n3A_289 : i32
              %add3A_428 = arith.constant 2 : i32
              %add3A_429 = arith.addi %sub3A_427, %add3A_428 : i32
              %dma_start3A_430 = arith.constant 0 : i32
              %dma_start3A_431 = arith.constant 0 : i32
              %dma_start3A_432 = tpu.memref_slice %arg10[%sub3A_427, %dma_start3A_430, %dma_start3A_431] : memref<2x128x128xf32, #tpu.memory_space<vmem>> -> memref<1x128x128xf32, #tpu.memory_space<vmem>>
              %dma_start3A_433 = tpu.memref_squeeze %dma_start3A_432 : memref<1x128x128xf32, #tpu.memory_space<vmem>> -> memref<128x128xf32, #tpu.memory_space<vmem>>
              %dma_start3A_434 = arith.constant 0 : i32
              %dma_start3A_435 = tpu.memref_slice %arg9[%add3A_429, %dma_start3A_434] : memref<4x128xi32, #tpu.memory_space<vmem>> -> memref<1x128xi32, #tpu.memory_space<vmem>>
              %dma_start3A_436 = tpu.memref_squeeze %dma_start3A_435 : memref<1x128xi32, #tpu.memory_space<vmem>> -> memref<128xi32, #tpu.memory_space<vmem>>
              %dma_start3A_437 = arith.constant 0 : i32
              %dma_start3A_438 = arith.constant 0 : i32
              %dma_start3A_439 = tpu.memref_slice %arg11[%dma_start3A_437, %dma_start3A_438] : memref<10008x128xf32, #tpu.memory_space<vmem_shared>> -> memref<10008x128xf32, #tpu.memory_space<vmem_shared>>
              tpu.enqueue_indirect_dma source(%dma_start3A_433 : memref<128x128xf32, #tpu.memory_space<vmem>>) target(%dma_start3A_439 : memref<10008x128xf32, #tpu.memory_space<vmem_shared>>) offsets(%dma_start3A_436 : memref<128xi32, #tpu.memory_space<vmem>>) semaphore(%arg13 : memref<!tpu.dma_semaphore, #tpu.memory_space<semaphore_mem>>) {add = true}
            } else {
            }
            %ge3A_295 = arith.constant 2 : i32
            %ge3A_296 = arith.cmpi sge, %scan3A_231, %ge3A_295 : i32
            %convert_element_type3A_297 = arith.extui %ge3A_296 : i1 to i32
            %cond3A_298 = arith.constant 0 : i32
            %cond3A_299 = arith.cmpi ne, %convert_element_type3A_297, %cond3A_298 : i32
            scf.if %cond3A_299 {
              %add3A_414 = arith.constant 2 : i32
              %add3A_415 = arith.addi %select_n3A_289, %add3A_414 : i32
              %dma_wait3A_416 = arith.constant 0 : i32
              %dma_wait3A_417 = arith.constant 0 : i32
              %dma_wait3A_418 = tpu.memref_slice %arg10[%select_n3A_289, %dma_wait3A_416, %dma_wait3A_417] : memref<2x128x128xf32, #tpu.memory_space<vmem>> -> memref<1x128x128xf32, #tpu.memory_space<vmem>>
              %dma_wait3A_419 = tpu.memref_squeeze %dma_wait3A_418 : memref<1x128x128xf32, #tpu.memory_space<vmem>> -> memref<128x128xf32, #tpu.memory_space<vmem>>
              %dma_wait3A_420 = arith.constant 0 : i32
              %dma_wait3A_421 = tpu.memref_slice %arg9[%add3A_415, %dma_wait3A_420] : memref<4x128xi32, #tpu.memory_space<vmem>> -> memref<1x128xi32, #tpu.memory_space<vmem>>
              %dma_wait3A_422 = tpu.memref_squeeze %dma_wait3A_421 : memref<1x128xi32, #tpu.memory_space<vmem>> -> memref<128xi32, #tpu.memory_space<vmem>>
              %dma_wait3A_423 = arith.constant 0 : i32
              %dma_wait3A_424 = arith.constant 0 : i32
              %dma_wait3A_425 = tpu.memref_slice %arg11[%dma_wait3A_423, %dma_wait3A_424] : memref<10008x128xf32, #tpu.memory_space<vmem_shared>> -> memref<10008x128xf32, #tpu.memory_space<vmem_shared>>
              tpu.wait_indirect_dma semaphore(%arg13 : memref<!tpu.dma_semaphore, #tpu.memory_space<semaphore_mem>>) src(%dma_wait3A_419 : memref<128x128xf32, #tpu.memory_space<vmem>>) dst(%dma_wait3A_425 : memref<10008x128xf32, #tpu.memory_space<vmem_shared>>)
            } else {
            }
            %get3A_300 = arith.constant 0 : index
            %get3A_301 = tpu.vector_load %arg7[%get3A_300] {strides = array<i32>} : memref<256xi32, #tpu.memory_space<vmem>>, vector<16xi32>,
            %swap3A_302 = arith.index_cast %select_n3A_289 : i32 to index
            %swap3A_303 = arith.constant 0 : index
            %swap3A_304 = tpu.vector_load %arg9[%swap3A_302, %swap3A_303] {strides = array<i32>} : memref<4x128xi32, #tpu.memory_space<vmem>>, vector<16xi32>,
            tpu.vector_store %arg9[%swap3A_302, %swap3A_303], %get3A_301 {strides = array<i32>} : memref<4x128xi32, #tpu.memory_space<vmem>>, vector<16xi32>,
            %get3A_305 = arith.constant 0 : index
            %get3A_306 = tpu.vector_load %arg8[%get3A_305] {strides = array<i32>} : memref<256xi32, #tpu.memory_space<vmem>>, vector<16xi32>,
            %add3A_307 = arith.constant 2 : i32
            %add3A_308 = arith.addi %select_n3A_289, %add3A_307 : i32
            %swap3A_309 = arith.index_cast %add3A_308 : i32 to index
            %swap3A_310 = arith.constant 0 : index
            %swap3A_311 = tpu.vector_load %arg9[%swap3A_309, %swap3A_310] {strides = array<i32>} : memref<4x128xi32, #tpu.memory_space<vmem>>, vector<16xi32>,
            tpu.vector_store %arg9[%swap3A_309, %swap3A_310], %get3A_306 {strides = array<i32>} : memref<4x128xi32, #tpu.memory_space<vmem>>, vector<16xi32>,
            %get3A_312 = arith.constant 16 : index
            %get3A_313 = tpu.vector_load %arg7[%get3A_312] {strides = array<i32>} : memref<256xi32, #tpu.memory_space<vmem>>, vector<16xi32>,
            %swap3A_314 = arith.index_cast %select_n3A_289 : i32 to index
            %swap3A_315 = arith.constant 16 : index
            %swap3A_316 = tpu.vector_load %arg9[%swap3A_314, %swap3A_315] {strides = array<i32>} : memref<4x128xi32, #tpu.memory_space<vmem>>, vector<16xi32>,
            tpu.vector_store %arg9[%swap3A_314, %swap3A_315], %get3A_313 {strides = array<i32>} : memref<4x128xi32, #tpu.memory_space<vmem>>, vector<16xi32>,
            %get3A_317 = arith.constant 16 : index
            %get3A_318 = tpu.vector_load %arg8[%get3A_317] {strides = array<i32>} : memref<256xi32, #tpu.memory_space<vmem>>, vector<16xi32>,
            %add3A_319 = arith.constant 2 : i32
            %add3A_320 = arith.addi %select_n3A_289, %add3A_319 : i32
            %swap3A_321 = arith.index_cast %add3A_320 : i32 to index
            %swap3A_322 = arith.constant 16 : index
            %swap3A_323 = tpu.vector_load %arg9[%swap3A_321, %swap3A_322] {strides = array<i32>} : memref<4x128xi32, #tpu.memory_space<vmem>>, vector<16xi32>,
            tpu.vector_store %arg9[%swap3A_321, %swap3A_322], %get3A_318 {strides = array<i32>} : memref<4x128xi32, #tpu.memory_space<vmem>>, vector<16xi32>,
            %get3A_324 = arith.constant 32 : index
            %get3A_325 = tpu.vector_load %arg7[%get3A_324] {strides = array<i32>} : memref<256xi32, #tpu.memory_space<vmem>>, vector<16xi32>,
            %swap3A_326 = arith.index_cast %select_n3A_289 : i32 to index
            %swap3A_327 = arith.constant 32 : index
            %swap3A_328 = tpu.vector_load %arg9[%swap3A_326, %swap3A_327] {strides = array<i32>} : memref<4x128xi32, #tpu.memory_space<vmem>>, vector<16xi32>,
            tpu.vector_store %arg9[%swap3A_326, %swap3A_327], %get3A_325 {strides = array<i32>} : memref<4x128xi32, #tpu.memory_space<vmem>>, vector<16xi32>,
            %get3A_329 = arith.constant 32 : index
            %get3A_330 = tpu.vector_load %arg8[%get3A_329] {strides = array<i32>} : memref<256xi32, #tpu.memory_space<vmem>>, vector<16xi32>,
            %add3A_331 = arith.constant 2 : i32
            %add3A_332 = arith.addi %select_n3A_289, %add3A_331 : i32
            %swap3A_333 = arith.index_cast %add3A_332 : i32 to index
            %swap3A_334 = arith.constant 32 : index
            %swap3A_335 = tpu.vector_load %arg9[%swap3A_333, %swap3A_334] {strides = array<i32>} : memref<4x128xi32, #tpu.memory_space<vmem>>, vector<16xi32>,
            tpu.vector_store %arg9[%swap3A_333, %swap3A_334], %get3A_330 {strides = array<i32>} : memref<4x128xi32, #tpu.memory_space<vmem>>, vector<16xi32>,
            %get3A_336 = arith.constant 48 : index
            %get3A_337 = tpu.vector_load %arg7[%get3A_336] {strides = array<i32>} : memref<256xi32, #tpu.memory_space<vmem>>, vector<16xi32>,
            %swap3A_338 = arith.index_cast %select_n3A_289 : i32 to index
            %swap3A_339 = arith.constant 48 : index
            %swap3A_340 = tpu.vector_load %arg9[%swap3A_338, %swap3A_339] {strides = array<i32>} : memref<4x128xi32, #tpu.memory_space<vmem>>, vector<16xi32>,
            tpu.vector_store %arg9[%swap3A_338, %swap3A_339], %get3A_337 {strides = array<i32>} : memref<4x128xi32, #tpu.memory_space<vmem>>, vector<16xi32>,
            %get3A_341 = arith.constant 48 : index
            %get3A_342 = tpu.vector_load %arg8[%get3A_341] {strides = array<i32>} : memref<256xi32, #tpu.memory_space<vmem>>, vector<16xi32>,
            %add3A_343 = arith.constant 2 : i32
            %add3A_344 = arith.addi %select_n3A_289, %add3A_343 : i32
            %swap3A_345 = arith.index_cast %add3A_344 : i32 to index
            %swap3A_346 = arith.constant 48 : index
            %swap3A_347 = tpu.vector_load %arg9[%swap3A_345, %swap3A_346] {strides = array<i32>} : memref<4x128xi32, #tpu.memory_space<vmem>>, vector<16xi32>,
            tpu.vector_store %arg9[%swap3A_345, %swap3A_346], %get3A_342 {strides = array<i32>} : memref<4x128xi32, #tpu.memory_space<vmem>>, vector<16xi32>,
            %get3A_348 = arith.constant 64 : index
            %get3A_349 = tpu.vector_load %arg7[%get3A_348] {strides = array<i32>} : memref<256xi32, #tpu.memory_space<vmem>>, vector<16xi32>,
            %swap3A_350 = arith.index_cast %select_n3A_289 : i32 to index
            %swap3A_351 = arith.constant 64 : index
            %swap3A_352 = tpu.vector_load %arg9[%swap3A_350, %swap3A_351] {strides = array<i32>} : memref<4x128xi32, #tpu.memory_space<vmem>>, vector<16xi32>,
            tpu.vector_store %arg9[%swap3A_350, %swap3A_351], %get3A_349 {strides = array<i32>} : memref<4x128xi32, #tpu.memory_space<vmem>>, vector<16xi32>,
            %get3A_353 = arith.constant 64 : index
            %get3A_354 = tpu.vector_load %arg8[%get3A_353] {strides = array<i32>} : memref<256xi32, #tpu.memory_space<vmem>>, vector<16xi32>,
            %add3A_355 = arith.constant 2 : i32
            %add3A_356 = arith.addi %select_n3A_289, %add3A_355 : i32
            %swap3A_357 = arith.index_cast %add3A_356 : i32 to index
            %swap3A_358 = arith.constant 64 : index
            %swap3A_359 = tpu.vector_load %arg9[%swap3A_357, %swap3A_358] {strides = array<i32>} : memref<4x128xi32, #tpu.memory_space<vmem>>, vector<16xi32>,
            tpu.vector_store %arg9[%swap3A_357, %swap3A_358], %get3A_354 {strides = array<i32>} : memref<4x128xi32, #tpu.memory_space<vmem>>, vector<16xi32>,
            %get3A_360 = arith.constant 80 : index
            %get3A_361 = tpu.vector_load %arg7[%get3A_360] {strides = array<i32>} : memref<256xi32, #tpu.memory_space<vmem>>, vector<16xi32>,
            %swap3A_362 = arith.index_cast %select_n3A_289 : i32 to index
            %swap3A_363 = arith.constant 80 : index
            %swap3A_364 = tpu.vector_load %arg9[%swap3A_362, %swap3A_363] {strides = array<i32>} : memref<4x128xi32, #tpu.memory_space<vmem>>, vector<16xi32>,
            tpu.vector_store %arg9[%swap3A_362, %swap3A_363], %get3A_361 {strides = array<i32>} : memref<4x128xi32, #tpu.memory_space<vmem>>, vector<16xi32>,
            %get3A_365 = arith.constant 80 : index
            %get3A_366 = tpu.vector_load %arg8[%get3A_365] {strides = array<i32>} : memref<256xi32, #tpu.memory_space<vmem>>, vector<16xi32>,
            %add3A_367 = arith.constant 2 : i32
            %add3A_368 = arith.addi %select_n3A_289, %add3A_367 : i32
            %swap3A_369 = arith.index_cast %add3A_368 : i32 to index
            %swap3A_370 = arith.constant 80 : index
            %swap3A_371 = tpu.vector_load %arg9[%swap3A_369, %swap3A_370] {strides = array<i32>} : memref<4x128xi32, #tpu.memory_space<vmem>>, vector<16xi32>,
            tpu.vector_store %arg9[%swap3A_369, %swap3A_370], %get3A_366 {strides = array<i32>} : memref<4x128xi32, #tpu.memory_space<vmem>>, vector<16xi32>,
            %get3A_372 = arith.constant 96 : index
            %get3A_373 = tpu.vector_load %arg7[%get3A_372] {strides = array<i32>} : memref<256xi32, #tpu.memory_space<vmem>>, vector<16xi32>,
            %swap3A_374 = arith.index_cast %select_n3A_289 : i32 to index
            %swap3A_375 = arith.constant 96 : index
            %swap3A_376 = tpu.vector_load %arg9[%swap3A_374, %swap3A_375] {strides = array<i32>} : memref<4x128xi32, #tpu.memory_space<vmem>>, vector<16xi32>,
            tpu.vector_store %arg9[%swap3A_374, %swap3A_375], %get3A_373 {strides = array<i32>} : memref<4x128xi32, #tpu.memory_space<vmem>>, vector<16xi32>,
            %get3A_377 = arith.constant 96 : index
            %get3A_378 = tpu.vector_load %arg8[%get3A_377] {strides = array<i32>} : memref<256xi32, #tpu.memory_space<vmem>>, vector<16xi32>,
            %add3A_379 = arith.constant 2 : i32
            %add3A_380 = arith.addi %select_n3A_289, %add3A_379 : i32
            %swap3A_381 = arith.index_cast %add3A_380 : i32 to index
            %swap3A_382 = arith.constant 96 : index
            %swap3A_383 = tpu.vector_load %arg9[%swap3A_381, %swap3A_382] {strides = array<i32>} : memref<4x128xi32, #tpu.memory_space<vmem>>, vector<16xi32>,
            tpu.vector_store %arg9[%swap3A_381, %swap3A_382], %get3A_378 {strides = array<i32>} : memref<4x128xi32, #tpu.memory_space<vmem>>, vector<16xi32>,
            %get3A_384 = arith.constant 112 : index
            %get3A_385 = tpu.vector_load %arg7[%get3A_384] {strides = array<i32>} : memref<256xi32, #tpu.memory_space<vmem>>, vector<16xi32>,
            %swap3A_386 = arith.index_cast %select_n3A_289 : i32 to index
            %swap3A_387 = arith.constant 112 : index
            %swap3A_388 = tpu.vector_load %arg9[%swap3A_386, %swap3A_387] {strides = array<i32>} : memref<4x128xi32, #tpu.memory_space<vmem>>, vector<16xi32>,
            tpu.vector_store %arg9[%swap3A_386, %swap3A_387], %get3A_385 {strides = array<i32>} : memref<4x128xi32, #tpu.memory_space<vmem>>, vector<16xi32>,
            %get3A_389 = arith.constant 112 : index
            %get3A_390 = tpu.vector_load %arg8[%get3A_389] {strides = array<i32>} : memref<256xi32, #tpu.memory_space<vmem>>, vector<16xi32>,
            %add3A_391 = arith.constant 2 : i32
            %add3A_392 = arith.addi %select_n3A_289, %add3A_391 : i32
            %swap3A_393 = arith.index_cast %add3A_392 : i32 to index
            %swap3A_394 = arith.constant 112 : index
            %swap3A_395 = tpu.vector_load %arg9[%swap3A_393, %swap3A_394] {strides = array<i32>} : memref<4x128xi32, #tpu.memory_space<vmem>>, vector<16xi32>,
            tpu.vector_store %arg9[%swap3A_393, %swap3A_394], %get3A_390 {strides = array<i32>} : memref<4x128xi32, #tpu.memory_space<vmem>>, vector<16xi32>,
            %get3A_396 = arith.constant 128 : index
            %get3A_397 = tpu.vector_load %arg7[%get3A_396] {strides = array<i32>} : memref<256xi32, #tpu.memory_space<vmem>>, vector<16xi32>,
            %get3A_398 = arith.constant 128 : index
            %get3A_399 = tpu.vector_load %arg8[%get3A_398] {strides = array<i32>} : memref<256xi32, #tpu.memory_space<vmem>>, vector<16xi32>,
            %swap3A_400 = arith.constant 0 : index
            %swap3A_401 = tpu.vector_load %arg7[%swap3A_400] {strides = array<i32>} : memref<256xi32, #tpu.memory_space<vmem>>, vector<16xi32>,
            tpu.vector_store %arg7[%swap3A_400], %get3A_397 {strides = array<i32>} : memref<256xi32, #tpu.memory_space<vmem>>, vector<16xi32>,
            %swap3A_402 = arith.constant 0 : index
            %swap3A_403 = tpu.vector_load %arg8[%swap3A_402] {strides = array<i32>} : memref<256xi32, #tpu.memory_space<vmem>>, vector<16xi32>,
            tpu.vector_store %arg8[%swap3A_402], %get3A_399 {strides = array<i32>} : memref<256xi32, #tpu.memory_space<vmem>>, vector<16xi32>,
            %dma_start3A_404 = arith.constant 0 : i32
            %dma_start3A_405 = arith.constant 0 : i32
            %dma_start3A_406 = tpu.memref_slice %arg10[%select_n3A_289, %dma_start3A_404, %dma_start3A_405] : memref<2x128x128xf32, #tpu.memory_space<vmem>> -> memref<1x128x128xf32, #tpu.memory_space<vmem>>
            %dma_start3A_407 = tpu.memref_squeeze %dma_start3A_406 : memref<1x128x128xf32, #tpu.memory_space<vmem>> -> memref<128x128xf32, #tpu.memory_space<vmem>>
            %dma_start3A_408 = arith.constant 0 : i32
            %dma_start3A_409 = tpu.memref_slice %arg9[%select_n3A_289, %dma_start3A_408] : memref<4x128xi32, #tpu.memory_space<vmem>> -> memref<1x128xi32, #tpu.memory_space<vmem>>
            %dma_start3A_410 = tpu.memref_squeeze %dma_start3A_409 : memref<1x128xi32, #tpu.memory_space<vmem>> -> memref<128xi32, #tpu.memory_space<vmem>>
            %dma_start3A_411 = arith.constant 0 : i32
            %dma_start3A_412 = arith.constant 0 : i32
            %dma_start3A_413 = tpu.memref_slice %arg3[%dma_start3A_411, %dma_start3A_412] : memref<480000x128xf32, #tpu.memory_space<hbm>> -> memref<480000x128xf32, #tpu.memory_space<hbm>>
            tpu.enqueue_indirect_dma source(%dma_start3A_413 : memref<480000x128xf32, #tpu.memory_space<hbm>>) target(%dma_start3A_407 : memref<128x128xf32, #tpu.memory_space<vmem>>) offsets(%dma_start3A_410 : memref<128xi32, #tpu.memory_space<vmem>>) semaphore(%arg12 : memref<!tpu.dma_semaphore, #tpu.memory_space<semaphore_mem>>)
          } else {
          }
          %sub3A_268 = arith.constant 128 : i32
          %sub3A_269 = arith.subi %add3A_262, %sub3A_268 : i32
          %select_n3A_270 = arith.select %ge3A_264, %sub3A_269, %add3A_262 : i32
          %add3A_271 = arith.constant 1 : i32
          %add3A_272 = arith.addi %scan3A_231, %add3A_271 : i32
          %select_n3A_273 = arith.select %ge3A_264, %add3A_272, %scan3A_231 : i32
          scf.yield %select_n3A_270, %select_n3A_273 : i32, i32
        }
        %scan3A_228 = arith.constant 75 : i32
        scf.yield %scan3A_227#0, %scan3A_227#1 : i32, i32
      }
      %scan3A_25 = arith.constant 25 : i32
      %scan3A_26 = arith.constant 0 : i32
      %scan3A_27 = arith.constant 0 : i32
      %scan3A_28 = arith.constant 8 : i32
      %scan3A_29 = arith.addi %scan3A_27, %scan3A_28 : i32
      %scan3A_30 = arith.constant 1 : i32
      scf.for %scan3A_220 = %scan3A_27 to %scan3A_29 step %scan3A_30  : i32 {
        %mul3A_221 = arith.constant 16 : i32
        %mul3A_222 = arith.muli %scan3A_220, %mul3A_221 : i32
        %add3A_223 = arith.addi %scan3A_24#0, %mul3A_222 : i32
        %swap3A_224 = arith.index_cast %add3A_223 : i32 to index
        %swap3A_225 = tpu.vector_load %arg7[%swap3A_224] {strides = array<i32>} : memref<256xi32, #tpu.memory_space<vmem>>, vector<16xi32>,
        tpu.vector_store %arg7[%swap3A_224], %broadcast_in_dim3A_2 {strides = array<i32>} : memref<256xi32, #tpu.memory_space<vmem>>, vector<16xi32>,
        %mul3A_226 = arith.constant 16 : i32
        %mul3A_227 = arith.muli %scan3A_220, %mul3A_226 : i32
        %add3A_228 = arith.addi %scan3A_24#0, %mul3A_227 : i32
        %swap3A_229 = arith.index_cast %add3A_228 : i32 to index
        %swap3A_230 = tpu.vector_load %arg8[%swap3A_229] {strides = array<i32>} : memref<256xi32, #tpu.memory_space<vmem>>, vector<16xi32>,
        tpu.vector_store %arg8[%swap3A_229], %broadcast_in_dim3A_0 {strides = array<i32>} : memref<256xi32, #tpu.memory_space<vmem>>, vector<16xi32>,
      }
      %scan3A_31 = arith.constant 8 : i32
      %jit3A = arith.constant 2 : i32
      %eq3A = arith.constant 0 : i32
      %eq3A_32 = arith.cmpi eq, %jit3A, %eq3A : i32
      %jit3A_33 = arith.constant 1 : i32
      %select_n3A = arith.select %eq3A_32, %jit3A_33, %jit3A : i32
      %rem3A = arith.remsi %scan3A_24#1, %select_n3A : i32
      %ne3A = arith.constant 0 : i32
      %ne3A_34 = arith.cmpi ne, %rem3A, %ne3A : i32
      %lt3A = arith.constant 0 : i32
      %lt3A_35 = arith.cmpi slt, %rem3A, %lt3A : i32
      %lt3A_36 = arith.constant 0 : i32
      %lt3A_37 = arith.cmpi slt, %select_n3A, %lt3A_36 : i32
      %ne3A_38 = arith.xori %lt3A_35, %lt3A_37 : i1
      %and3A = arith.andi %ne3A_38, %ne3A_34 : i1
      %add3A_39 = arith.addi %rem3A, %select_n3A : i32
      %select_n3A_40 = arith.select %and3A, %add3A_39, %rem3A : i32
      %ge3A = arith.constant 1 : i32
      %ge3A_41 = arith.cmpi sge, %scan3A_24#1, %ge3A : i32
      %convert_element_type3A = arith.extui %ge3A_41 : i1 to i32
      %cond3A = arith.constant 0 : i32
      %cond3A_42 = arith.cmpi ne, %convert_element_type3A, %cond3A : i32
      scf.if %cond3A_42 {
        %sub3A = arith.constant 1 : i32
        %sub3A_220 = arith.subi %sub3A, %select_n3A_40 : i32
        %dma_wait3A_221 = arith.constant 0 : i32
        %dma_wait3A_222 = arith.constant 0 : i32
        %dma_wait3A_223 = tpu.memref_slice %arg10[%sub3A_220, %dma_wait3A_221, %dma_wait3A_222] : memref<2x128x128xf32, #tpu.memory_space<vmem>> -> memref<1x128x128xf32, #tpu.memory_space<vmem>>
        %dma_wait3A_224 = tpu.memref_squeeze %dma_wait3A_223 : memref<1x128x128xf32, #tpu.memory_space<vmem>> -> memref<128x128xf32, #tpu.memory_space<vmem>>
        %dma_wait3A_225 = arith.constant 0 : i32
        %dma_wait3A_226 = tpu.memref_slice %arg9[%sub3A_220, %dma_wait3A_225] : memref<4x128xi32, #tpu.memory_space<vmem>> -> memref<1x128xi32, #tpu.memory_space<vmem>>
        %dma_wait3A_227 = tpu.memref_squeeze %dma_wait3A_226 : memref<1x128xi32, #tpu.memory_space<vmem>> -> memref<128xi32, #tpu.memory_space<vmem>>
        %dma_wait3A_228 = arith.constant 0 : i32
        %dma_wait3A_229 = arith.constant 0 : i32
        %dma_wait3A_230 = tpu.memref_slice %arg3[%dma_wait3A_228, %dma_wait3A_229] : memref<480000x128xf32, #tpu.memory_space<hbm>> -> memref<480000x128xf32, #tpu.memory_space<hbm>>
        tpu.wait_indirect_dma semaphore(%arg12 : memref<!tpu.dma_semaphore, #tpu.memory_space<semaphore_mem>>) src(%dma_wait3A_230 : memref<480000x128xf32, #tpu.memory_space<hbm>>) dst(%dma_wait3A_224 : memref<128x128xf32, #tpu.memory_space<vmem>>)
        %sub3A_231 = arith.constant 1 : i32
        %sub3A_232 = arith.subi %sub3A_231, %select_n3A_40 : i32
        %add3A_233 = arith.constant 2 : i32
        %add3A_234 = arith.addi %sub3A_232, %add3A_233 : i32
        %dma_start3A_235 = arith.constant 0 : i32
        %dma_start3A_236 = arith.constant 0 : i32
        %dma_start3A_237 = tpu.memref_slice %arg10[%sub3A_232, %dma_start3A_235, %dma_start3A_236] : memref<2x128x128xf32, #tpu.memory_space<vmem>> -> memref<1x128x128xf32, #tpu.memory_space<vmem>>
        %dma_start3A_238 = tpu.memref_squeeze %dma_start3A_237 : memref<1x128x128xf32, #tpu.memory_space<vmem>> -> memref<128x128xf32, #tpu.memory_space<vmem>>
        %dma_start3A_239 = arith.constant 0 : i32
        %dma_start3A_240 = tpu.memref_slice %arg9[%add3A_234, %dma_start3A_239] : memref<4x128xi32, #tpu.memory_space<vmem>> -> memref<1x128xi32, #tpu.memory_space<vmem>>
        %dma_start3A_241 = tpu.memref_squeeze %dma_start3A_240 : memref<1x128xi32, #tpu.memory_space<vmem>> -> memref<128xi32, #tpu.memory_space<vmem>>
        %dma_start3A_242 = arith.constant 0 : i32
        %dma_start3A_243 = arith.constant 0 : i32
        %dma_start3A_244 = tpu.memref_slice %arg11[%dma_start3A_242, %dma_start3A_243] : memref<10008x128xf32, #tpu.memory_space<vmem_shared>> -> memref<10008x128xf32, #tpu.memory_space<vmem_shared>>
        tpu.enqueue_indirect_dma source(%dma_start3A_238 : memref<128x128xf32, #tpu.memory_space<vmem>>) target(%dma_start3A_244 : memref<10008x128xf32, #tpu.memory_space<vmem_shared>>) offsets(%dma_start3A_241 : memref<128xi32, #tpu.memory_space<vmem>>) semaphore(%arg13 : memref<!tpu.dma_semaphore, #tpu.memory_space<semaphore_mem>>) {add = true}
      } else {
      }
      %ge3A_43 = arith.constant 2 : i32
      %ge3A_44 = arith.cmpi sge, %scan3A_24#1, %ge3A_43 : i32
      %convert_element_type3A_45 = arith.extui %ge3A_44 : i1 to i32
      %cond3A_46 = arith.constant 0 : i32
      %cond3A_47 = arith.cmpi ne, %convert_element_type3A_45, %cond3A_46 : i32
      scf.if %cond3A_47 {
        %add3A_220 = arith.constant 2 : i32
        %add3A_221 = arith.addi %select_n3A_40, %add3A_220 : i32
        %dma_wait3A_222 = arith.constant 0 : i32
        %dma_wait3A_223 = arith.constant 0 : i32
        %dma_wait3A_224 = tpu.memref_slice %arg10[%select_n3A_40, %dma_wait3A_222, %dma_wait3A_223] : memref<2x128x128xf32, #tpu.memory_space<vmem>> -> memref<1x128x128xf32, #tpu.memory_space<vmem>>
        %dma_wait3A_225 = tpu.memref_squeeze %dma_wait3A_224 : memref<1x128x128xf32, #tpu.memory_space<vmem>> -> memref<128x128xf32, #tpu.memory_space<vmem>>
        %dma_wait3A_226 = arith.constant 0 : i32
        %dma_wait3A_227 = tpu.memref_slice %arg9[%add3A_221, %dma_wait3A_226] : memref<4x128xi32, #tpu.memory_space<vmem>> -> memref<1x128xi32, #tpu.memory_space<vmem>>
        %dma_wait3A_228 = tpu.memref_squeeze %dma_wait3A_227 : memref<1x128xi32, #tpu.memory_space<vmem>> -> memref<128xi32, #tpu.memory_space<vmem>>
        %dma_wait3A_229 = arith.constant 0 : i32
        %dma_wait3A_230 = arith.constant 0 : i32
        %dma_wait3A_231 = tpu.memref_slice %arg11[%dma_wait3A_229, %dma_wait3A_230] : memref<10008x128xf32, #tpu.memory_space<vmem_shared>> -> memref<10008x128xf32, #tpu.memory_space<vmem_shared>>
        tpu.wait_indirect_dma semaphore(%arg13 : memref<!tpu.dma_semaphore, #tpu.memory_space<semaphore_mem>>) src(%dma_wait3A_225 : memref<128x128xf32, #tpu.memory_space<vmem>>) dst(%dma_wait3A_231 : memref<10008x128xf32, #tpu.memory_space<vmem_shared>>)
      } else {
      }
      %get3A = arith.constant 0 : index
      %get3A_48 = tpu.vector_load %arg7[%get3A] {strides = array<i32>} : memref<256xi32, #tpu.memory_space<vmem>>, vector<16xi32>,
      %swap3A = arith.index_cast %select_n3A_40 : i32 to index
      %swap3A_49 = arith.constant 0 : index
      %swap3A_50 = tpu.vector_load %arg9[%swap3A, %swap3A_49] {strides = array<i32>} : memref<4x128xi32, #tpu.memory_space<vmem>>, vector<16xi32>,
      tpu.vector_store %arg9[%swap3A, %swap3A_49], %get3A_48 {strides = array<i32>} : memref<4x128xi32, #tpu.memory_space<vmem>>, vector<16xi32>,
      %get3A_51 = arith.constant 0 : index
      %get3A_52 = tpu.vector_load %arg8[%get3A_51] {strides = array<i32>} : memref<256xi32, #tpu.memory_space<vmem>>, vector<16xi32>,
      %add3A_53 = arith.constant 2 : i32
      %add3A_54 = arith.addi %select_n3A_40, %add3A_53 : i32
      %swap3A_55 = arith.index_cast %add3A_54 : i32 to index
      %swap3A_56 = arith.constant 0 : index
      %swap3A_57 = tpu.vector_load %arg9[%swap3A_55, %swap3A_56] {strides = array<i32>} : memref<4x128xi32, #tpu.memory_space<vmem>>, vector<16xi32>,
      tpu.vector_store %arg9[%swap3A_55, %swap3A_56], %get3A_52 {strides = array<i32>} : memref<4x128xi32, #tpu.memory_space<vmem>>, vector<16xi32>,
      %get3A_58 = arith.constant 16 : index
      %get3A_59 = tpu.vector_load %arg7[%get3A_58] {strides = array<i32>} : memref<256xi32, #tpu.memory_space<vmem>>, vector<16xi32>,
      %swap3A_60 = arith.index_cast %select_n3A_40 : i32 to index
      %swap3A_61 = arith.constant 16 : index
      %swap3A_62 = tpu.vector_load %arg9[%swap3A_60, %swap3A_61] {strides = array<i32>} : memref<4x128xi32, #tpu.memory_space<vmem>>, vector<16xi32>,
      tpu.vector_store %arg9[%swap3A_60, %swap3A_61], %get3A_59 {strides = array<i32>} : memref<4x128xi32, #tpu.memory_space<vmem>>, vector<16xi32>,
      %get3A_63 = arith.constant 16 : index
      %get3A_64 = tpu.vector_load %arg8[%get3A_63] {strides = array<i32>} : memref<256xi32, #tpu.memory_space<vmem>>, vector<16xi32>,
      %add3A_65 = arith.constant 2 : i32
      %add3A_66 = arith.addi %select_n3A_40, %add3A_65 : i32
      %swap3A_67 = arith.index_cast %add3A_66 : i32 to index
      %swap3A_68 = arith.constant 16 : index
      %swap3A_69 = tpu.vector_load %arg9[%swap3A_67, %swap3A_68] {strides = array<i32>} : memref<4x128xi32, #tpu.memory_space<vmem>>, vector<16xi32>,
      tpu.vector_store %arg9[%swap3A_67, %swap3A_68], %get3A_64 {strides = array<i32>} : memref<4x128xi32, #tpu.memory_space<vmem>>, vector<16xi32>,
      %get3A_70 = arith.constant 32 : index
      %get3A_71 = tpu.vector_load %arg7[%get3A_70] {strides = array<i32>} : memref<256xi32, #tpu.memory_space<vmem>>, vector<16xi32>,
      %swap3A_72 = arith.index_cast %select_n3A_40 : i32 to index
      %swap3A_73 = arith.constant 32 : index
      %swap3A_74 = tpu.vector_load %arg9[%swap3A_72, %swap3A_73] {strides = array<i32>} : memref<4x128xi32, #tpu.memory_space<vmem>>, vector<16xi32>,
      tpu.vector_store %arg9[%swap3A_72, %swap3A_73], %get3A_71 {strides = array<i32>} : memref<4x128xi32, #tpu.memory_space<vmem>>, vector<16xi32>,
      %get3A_75 = arith.constant 32 : index
      %get3A_76 = tpu.vector_load %arg8[%get3A_75] {strides = array<i32>} : memref<256xi32, #tpu.memory_space<vmem>>, vector<16xi32>,
      %add3A_77 = arith.constant 2 : i32
      %add3A_78 = arith.addi %select_n3A_40, %add3A_77 : i32
      %swap3A_79 = arith.index_cast %add3A_78 : i32 to index
      %swap3A_80 = arith.constant 32 : index
      %swap3A_81 = tpu.vector_load %arg9[%swap3A_79, %swap3A_80] {strides = array<i32>} : memref<4x128xi32, #tpu.memory_space<vmem>>, vector<16xi32>,
      tpu.vector_store %arg9[%swap3A_79, %swap3A_80], %get3A_76 {strides = array<i32>} : memref<4x128xi32, #tpu.memory_space<vmem>>, vector<16xi32>,
      %get3A_82 = arith.constant 48 : index
      %get3A_83 = tpu.vector_load %arg7[%get3A_82] {strides = array<i32>} : memref<256xi32, #tpu.memory_space<vmem>>, vector<16xi32>,
      %swap3A_84 = arith.index_cast %select_n3A_40 : i32 to index
      %swap3A_85 = arith.constant 48 : index
      %swap3A_86 = tpu.vector_load %arg9[%swap3A_84, %swap3A_85] {strides = array<i32>} : memref<4x128xi32, #tpu.memory_space<vmem>>, vector<16xi32>,
      tpu.vector_store %arg9[%swap3A_84, %swap3A_85], %get3A_83 {strides = array<i32>} : memref<4x128xi32, #tpu.memory_space<vmem>>, vector<16xi32>,
      %get3A_87 = arith.constant 48 : index
      %get3A_88 = tpu.vector_load %arg8[%get3A_87] {strides = array<i32>} : memref<256xi32, #tpu.memory_space<vmem>>, vector<16xi32>,
      %add3A_89 = arith.constant 2 : i32
      %add3A_90 = arith.addi %select_n3A_40, %add3A_89 : i32
      %swap3A_91 = arith.index_cast %add3A_90 : i32 to index
      %swap3A_92 = arith.constant 48 : index
      %swap3A_93 = tpu.vector_load %arg9[%swap3A_91, %swap3A_92] {strides = array<i32>} : memref<4x128xi32, #tpu.memory_space<vmem>>, vector<16xi32>,
      tpu.vector_store %arg9[%swap3A_91, %swap3A_92], %get3A_88 {strides = array<i32>} : memref<4x128xi32, #tpu.memory_space<vmem>>, vector<16xi32>,
      %get3A_94 = arith.constant 64 : index
      %get3A_95 = tpu.vector_load %arg7[%get3A_94] {strides = array<i32>} : memref<256xi32, #tpu.memory_space<vmem>>, vector<16xi32>,
      %swap3A_96 = arith.index_cast %select_n3A_40 : i32 to index
      %swap3A_97 = arith.constant 64 : index
      %swap3A_98 = tpu.vector_load %arg9[%swap3A_96, %swap3A_97] {strides = array<i32>} : memref<4x128xi32, #tpu.memory_space<vmem>>, vector<16xi32>,
      tpu.vector_store %arg9[%swap3A_96, %swap3A_97], %get3A_95 {strides = array<i32>} : memref<4x128xi32, #tpu.memory_space<vmem>>, vector<16xi32>,
      %get3A_99 = arith.constant 64 : index
      %get3A_100 = tpu.vector_load %arg8[%get3A_99] {strides = array<i32>} : memref<256xi32, #tpu.memory_space<vmem>>, vector<16xi32>,
      %add3A_101 = arith.constant 2 : i32
      %add3A_102 = arith.addi %select_n3A_40, %add3A_101 : i32
      %swap3A_103 = arith.index_cast %add3A_102 : i32 to index
      %swap3A_104 = arith.constant 64 : index
      %swap3A_105 = tpu.vector_load %arg9[%swap3A_103, %swap3A_104] {strides = array<i32>} : memref<4x128xi32, #tpu.memory_space<vmem>>, vector<16xi32>,
      tpu.vector_store %arg9[%swap3A_103, %swap3A_104], %get3A_100 {strides = array<i32>} : memref<4x128xi32, #tpu.memory_space<vmem>>, vector<16xi32>,
      %get3A_106 = arith.constant 80 : index
      %get3A_107 = tpu.vector_load %arg7[%get3A_106] {strides = array<i32>} : memref<256xi32, #tpu.memory_space<vmem>>, vector<16xi32>,
      %swap3A_108 = arith.index_cast %select_n3A_40 : i32 to index
      %swap3A_109 = arith.constant 80 : index
      %swap3A_110 = tpu.vector_load %arg9[%swap3A_108, %swap3A_109] {strides = array<i32>} : memref<4x128xi32, #tpu.memory_space<vmem>>, vector<16xi32>,
      tpu.vector_store %arg9[%swap3A_108, %swap3A_109], %get3A_107 {strides = array<i32>} : memref<4x128xi32, #tpu.memory_space<vmem>>, vector<16xi32>,
      %get3A_111 = arith.constant 80 : index
      %get3A_112 = tpu.vector_load %arg8[%get3A_111] {strides = array<i32>} : memref<256xi32, #tpu.memory_space<vmem>>, vector<16xi32>,
      %add3A_113 = arith.constant 2 : i32
      %add3A_114 = arith.addi %select_n3A_40, %add3A_113 : i32
      %swap3A_115 = arith.index_cast %add3A_114 : i32 to index
      %swap3A_116 = arith.constant 80 : index
      %swap3A_117 = tpu.vector_load %arg9[%swap3A_115, %swap3A_116] {strides = array<i32>} : memref<4x128xi32, #tpu.memory_space<vmem>>, vector<16xi32>,
      tpu.vector_store %arg9[%swap3A_115, %swap3A_116], %get3A_112 {strides = array<i32>} : memref<4x128xi32, #tpu.memory_space<vmem>>, vector<16xi32>,
      %get3A_118 = arith.constant 96 : index
      %get3A_119 = tpu.vector_load %arg7[%get3A_118] {strides = array<i32>} : memref<256xi32, #tpu.memory_space<vmem>>, vector<16xi32>,
      %swap3A_120 = arith.index_cast %select_n3A_40 : i32 to index
      %swap3A_121 = arith.constant 96 : index
      %swap3A_122 = tpu.vector_load %arg9[%swap3A_120, %swap3A_121] {strides = array<i32>} : memref<4x128xi32, #tpu.memory_space<vmem>>, vector<16xi32>,
      tpu.vector_store %arg9[%swap3A_120, %swap3A_121], %get3A_119 {strides = array<i32>} : memref<4x128xi32, #tpu.memory_space<vmem>>, vector<16xi32>,
      %get3A_123 = arith.constant 96 : index
      %get3A_124 = tpu.vector_load %arg8[%get3A_123] {strides = array<i32>} : memref<256xi32, #tpu.memory_space<vmem>>, vector<16xi32>,
      %add3A_125 = arith.constant 2 : i32
      %add3A_126 = arith.addi %select_n3A_40, %add3A_125 : i32
      %swap3A_127 = arith.index_cast %add3A_126 : i32 to index
      %swap3A_128 = arith.constant 96 : index
      %swap3A_129 = tpu.vector_load %arg9[%swap3A_127, %swap3A_128] {strides = array<i32>} : memref<4x128xi32, #tpu.memory_space<vmem>>, vector<16xi32>,
      tpu.vector_store %arg9[%swap3A_127, %swap3A_128], %get3A_124 {strides = array<i32>} : memref<4x128xi32, #tpu.memory_space<vmem>>, vector<16xi32>,
      %get3A_130 = arith.constant 112 : index
      %get3A_131 = tpu.vector_load %arg7[%get3A_130] {strides = array<i32>} : memref<256xi32, #tpu.memory_space<vmem>>, vector<16xi32>,
      %swap3A_132 = arith.index_cast %select_n3A_40 : i32 to index
      %swap3A_133 = arith.constant 112 : index
      %swap3A_134 = tpu.vector_load %arg9[%swap3A_132, %swap3A_133] {strides = array<i32>} : memref<4x128xi32, #tpu.memory_space<vmem>>, vector<16xi32>,
      tpu.vector_store %arg9[%swap3A_132, %swap3A_133], %get3A_131 {strides = array<i32>} : memref<4x128xi32, #tpu.memory_space<vmem>>, vector<16xi32>,
      %get3A_135 = arith.constant 112 : index
      %get3A_136 = tpu.vector_load %arg8[%get3A_135] {strides = array<i32>} : memref<256xi32, #tpu.memory_space<vmem>>, vector<16xi32>,
      %add3A_137 = arith.constant 2 : i32
      %add3A_138 = arith.addi %select_n3A_40, %add3A_137 : i32
      %swap3A_139 = arith.index_cast %add3A_138 : i32 to index
      %swap3A_140 = arith.constant 112 : index
      %swap3A_141 = tpu.vector_load %arg9[%swap3A_139, %swap3A_140] {strides = array<i32>} : memref<4x128xi32, #tpu.memory_space<vmem>>, vector<16xi32>,
      tpu.vector_store %arg9[%swap3A_139, %swap3A_140], %get3A_136 {strides = array<i32>} : memref<4x128xi32, #tpu.memory_space<vmem>>, vector<16xi32>,
      %get3A_142 = arith.constant 128 : index
      %get3A_143 = tpu.vector_load %arg7[%get3A_142] {strides = array<i32>} : memref<256xi32, #tpu.memory_space<vmem>>, vector<16xi32>,
      %get3A_144 = arith.constant 128 : index
      %get3A_145 = tpu.vector_load %arg8[%get3A_144] {strides = array<i32>} : memref<256xi32, #tpu.memory_space<vmem>>, vector<16xi32>,
      %swap3A_146 = arith.constant 0 : index
      %swap3A_147 = tpu.vector_load %arg7[%swap3A_146] {strides = array<i32>} : memref<256xi32, #tpu.memory_space<vmem>>, vector<16xi32>,
      tpu.vector_store %arg7[%swap3A_146], %get3A_143 {strides = array<i32>} : memref<256xi32, #tpu.memory_space<vmem>>, vector<16xi32>,
      %swap3A_148 = arith.constant 0 : index
      %swap3A_149 = tpu.vector_load %arg8[%swap3A_148] {strides = array<i32>} : memref<256xi32, #tpu.memory_space<vmem>>, vector<16xi32>,
      tpu.vector_store %arg8[%swap3A_148], %get3A_145 {strides = array<i32>} : memref<256xi32, #tpu.memory_space<vmem>>, vector<16xi32>,
      %dma_start3A = arith.constant 0 : i32
      %dma_start3A_150 = arith.constant 0 : i32
      %dma_start3A_151 = tpu.memref_slice %arg10[%select_n3A_40, %dma_start3A, %dma_start3A_150] : memref<2x128x128xf32, #tpu.memory_space<vmem>> -> memref<1x128x128xf32, #tpu.memory_space<vmem>>
      %dma_start3A_152 = tpu.memref_squeeze %dma_start3A_151 : memref<1x128x128xf32, #tpu.memory_space<vmem>> -> memref<128x128xf32, #tpu.memory_space<vmem>>
      %dma_start3A_153 = arith.constant 0 : i32
      %dma_start3A_154 = tpu.memref_slice %arg9[%select_n3A_40, %dma_start3A_153] : memref<4x128xi32, #tpu.memory_space<vmem>> -> memref<1x128xi32, #tpu.memory_space<vmem>>
      %dma_start3A_155 = tpu.memref_squeeze %dma_start3A_154 : memref<1x128xi32, #tpu.memory_space<vmem>> -> memref<128xi32, #tpu.memory_space<vmem>>
      %dma_start3A_156 = arith.constant 0 : i32
      %dma_start3A_157 = arith.constant 0 : i32
      %dma_start3A_158 = tpu.memref_slice %arg3[%dma_start3A_156, %dma_start3A_157] : memref<480000x128xf32, #tpu.memory_space<hbm>> -> memref<480000x128xf32, #tpu.memory_space<hbm>>
      tpu.enqueue_indirect_dma source(%dma_start3A_158 : memref<480000x128xf32, #tpu.memory_space<hbm>>) target(%dma_start3A_152 : memref<128x128xf32, #tpu.memory_space<vmem>>) offsets(%dma_start3A_155 : memref<128xi32, #tpu.memory_space<vmem>>) semaphore(%arg12 : memref<!tpu.dma_semaphore, #tpu.memory_space<semaphore_mem>>)
      %jit3A_159 = arith.constant 2 : i32
      %eq3A_160 = arith.constant 0 : i32
      %eq3A_161 = arith.cmpi eq, %jit3A_159, %eq3A_160 : i32
      %jit3A_162 = arith.constant 1 : i32
      %select_n3A_163 = arith.select %eq3A_161, %jit3A_162, %jit3A_159 : i32
      %rem3A_164 = arith.remsi %scan3A_24#1, %select_n3A_163 : i32
      %ne3A_165 = arith.constant 0 : i32
      %ne3A_166 = arith.cmpi ne, %rem3A_164, %ne3A_165 : i32
      %lt3A_167 = arith.constant 0 : i32
      %lt3A_168 = arith.cmpi slt, %rem3A_164, %lt3A_167 : i32
      %lt3A_169 = arith.constant 0 : i32
      %lt3A_170 = arith.cmpi slt, %select_n3A_163, %lt3A_169 : i32
      %ne3A_171 = arith.xori %lt3A_168, %lt3A_170 : i1
      %and3A_172 = arith.andi %ne3A_171, %ne3A_166 : i1
      %add3A_173 = arith.addi %rem3A_164, %select_n3A_163 : i32
      %select_n3A_174 = arith.select %and3A_172, %add3A_173, %rem3A_164 : i32
      %dma_wait3A = arith.constant 0 : i32
      %dma_wait3A_175 = arith.constant 0 : i32
      %dma_wait3A_176 = tpu.memref_slice %arg10[%select_n3A_174, %dma_wait3A, %dma_wait3A_175] : memref<2x128x128xf32, #tpu.memory_space<vmem>> -> memref<1x128x128xf32, #tpu.memory_space<vmem>>
      %dma_wait3A_177 = tpu.memref_squeeze %dma_wait3A_176 : memref<1x128x128xf32, #tpu.memory_space<vmem>> -> memref<128x128xf32, #tpu.memory_space<vmem>>
      %dma_wait3A_178 = arith.constant 0 : i32
      %dma_wait3A_179 = tpu.memref_slice %arg9[%select_n3A_174, %dma_wait3A_178] : memref<4x128xi32, #tpu.memory_space<vmem>> -> memref<1x128xi32, #tpu.memory_space<vmem>>
      %dma_wait3A_180 = tpu.memref_squeeze %dma_wait3A_179 : memref<1x128xi32, #tpu.memory_space<vmem>> -> memref<128xi32, #tpu.memory_space<vmem>>
      %dma_wait3A_181 = arith.constant 0 : i32
      %dma_wait3A_182 = arith.constant 0 : i32
      %dma_wait3A_183 = tpu.memref_slice %arg3[%dma_wait3A_181, %dma_wait3A_182] : memref<480000x128xf32, #tpu.memory_space<hbm>> -> memref<480000x128xf32, #tpu.memory_space<hbm>>
      tpu.wait_indirect_dma semaphore(%arg12 : memref<!tpu.dma_semaphore, #tpu.memory_space<semaphore_mem>>) src(%dma_wait3A_183 : memref<480000x128xf32, #tpu.memory_space<hbm>>) dst(%dma_wait3A_177 : memref<128x128xf32, #tpu.memory_space<vmem>>)
      %add3A_184 = arith.constant 2 : i32
      %add3A_185 = arith.addi %select_n3A_174, %add3A_184 : i32
      %dma_start3A_186 = arith.constant 0 : i32
      %dma_start3A_187 = arith.constant 0 : i32
      %dma_start3A_188 = tpu.memref_slice %arg10[%select_n3A_174, %dma_start3A_186, %dma_start3A_187] : memref<2x128x128xf32, #tpu.memory_space<vmem>> -> memref<1x128x128xf32, #tpu.memory_space<vmem>>
      %dma_start3A_189 = tpu.memref_squeeze %dma_start3A_188 : memref<1x128x128xf32, #tpu.memory_space<vmem>> -> memref<128x128xf32, #tpu.memory_space<vmem>>
      %dma_start3A_190 = arith.constant 0 : i32
      %dma_start3A_191 = tpu.memref_slice %arg9[%add3A_185, %dma_start3A_190] : memref<4x128xi32, #tpu.memory_space<vmem>> -> memref<1x128xi32, #tpu.memory_space<vmem>>
      %dma_start3A_192 = tpu.memref_squeeze %dma_start3A_191 : memref<1x128xi32, #tpu.memory_space<vmem>> -> memref<128xi32, #tpu.memory_space<vmem>>
      %dma_start3A_193 = arith.constant 0 : i32
      %dma_start3A_194 = arith.constant 0 : i32
      %dma_start3A_195 = tpu.memref_slice %arg11[%dma_start3A_193, %dma_start3A_194] : memref<10008x128xf32, #tpu.memory_space<vmem_shared>> -> memref<10008x128xf32, #tpu.memory_space<vmem_shared>>
      tpu.enqueue_indirect_dma source(%dma_start3A_189 : memref<128x128xf32, #tpu.memory_space<vmem>>) target(%dma_start3A_195 : memref<10008x128xf32, #tpu.memory_space<vmem_shared>>) offsets(%dma_start3A_192 : memref<128xi32, #tpu.memory_space<vmem>>) semaphore(%arg13 : memref<!tpu.dma_semaphore, #tpu.memory_space<semaphore_mem>>) {add = true}
      %ge3A_196 = arith.constant 1 : i32
      %ge3A_197 = arith.cmpi sge, %scan3A_24#1, %ge3A_196 : i32
      %convert_element_type3A_198 = arith.extui %ge3A_197 : i1 to i32
      %cond3A_199 = arith.constant 0 : i32
      %cond3A_200 = arith.cmpi ne, %convert_element_type3A_198, %cond3A_199 : i32
      scf.if %cond3A_200 {
        %sub3A = arith.constant 1 : i32
        %sub3A_220 = arith.subi %sub3A, %select_n3A_174 : i32
        %add3A_221 = arith.constant 2 : i32
        %add3A_222 = arith.addi %sub3A_220, %add3A_221 : i32
        %dma_wait3A_223 = arith.constant 0 : i32
        %dma_wait3A_224 = arith.constant 0 : i32
        %dma_wait3A_225 = tpu.memref_slice %arg10[%sub3A_220, %dma_wait3A_223, %dma_wait3A_224] : memref<2x128x128xf32, #tpu.memory_space<vmem>> -> memref<1x128x128xf32, #tpu.memory_space<vmem>>
        %dma_wait3A_226 = tpu.memref_squeeze %dma_wait3A_225 : memref<1x128x128xf32, #tpu.memory_space<vmem>> -> memref<128x128xf32, #tpu.memory_space<vmem>>
        %dma_wait3A_227 = arith.constant 0 : i32
        %dma_wait3A_228 = tpu.memref_slice %arg9[%add3A_222, %dma_wait3A_227] : memref<4x128xi32, #tpu.memory_space<vmem>> -> memref<1x128xi32, #tpu.memory_space<vmem>>
        %dma_wait3A_229 = tpu.memref_squeeze %dma_wait3A_228 : memref<1x128xi32, #tpu.memory_space<vmem>> -> memref<128xi32, #tpu.memory_space<vmem>>
        %dma_wait3A_230 = arith.constant 0 : i32
        %dma_wait3A_231 = arith.constant 0 : i32
        %dma_wait3A_232 = tpu.memref_slice %arg11[%dma_wait3A_230, %dma_wait3A_231] : memref<10008x128xf32, #tpu.memory_space<vmem_shared>> -> memref<10008x128xf32, #tpu.memory_space<vmem_shared>>
        tpu.wait_indirect_dma semaphore(%arg13 : memref<!tpu.dma_semaphore, #tpu.memory_space<semaphore_mem>>) src(%dma_wait3A_226 : memref<128x128xf32, #tpu.memory_space<vmem>>) dst(%dma_wait3A_232 : memref<10008x128xf32, #tpu.memory_space<vmem_shared>>)
      } else {
      }
      %add3A_201 = arith.constant 2 : i32
      %add3A_202 = arith.addi %select_n3A_174, %add3A_201 : i32
      %dma_wait3A_203 = arith.constant 0 : i32
      %dma_wait3A_204 = arith.constant 0 : i32
      %dma_wait3A_205 = tpu.memref_slice %arg10[%select_n3A_174, %dma_wait3A_203, %dma_wait3A_204] : memref<2x128x128xf32, #tpu.memory_space<vmem>> -> memref<1x128x128xf32, #tpu.memory_space<vmem>>
      %dma_wait3A_206 = tpu.memref_squeeze %dma_wait3A_205 : memref<1x128x128xf32, #tpu.memory_space<vmem>> -> memref<128x128xf32, #tpu.memory_space<vmem>>
      %dma_wait3A_207 = arith.constant 0 : i32
      %dma_wait3A_208 = tpu.memref_slice %arg9[%add3A_202, %dma_wait3A_207] : memref<4x128xi32, #tpu.memory_space<vmem>> -> memref<1x128xi32, #tpu.memory_space<vmem>>
      %dma_wait3A_209 = tpu.memref_squeeze %dma_wait3A_208 : memref<1x128xi32, #tpu.memory_space<vmem>> -> memref<128xi32, #tpu.memory_space<vmem>>
      %dma_wait3A_210 = arith.constant 0 : i32
      %dma_wait3A_211 = arith.constant 0 : i32
      %dma_wait3A_212 = tpu.memref_slice %arg11[%dma_wait3A_210, %dma_wait3A_211] : memref<10008x128xf32, #tpu.memory_space<vmem_shared>> -> memref<10008x128xf32, #tpu.memory_space<vmem_shared>>
      tpu.wait_indirect_dma semaphore(%arg13 : memref<!tpu.dma_semaphore, #tpu.memory_space<semaphore_mem>>) src(%dma_wait3A_206 : memref<128x128xf32, #tpu.memory_space<vmem>>) dst(%dma_wait3A_212 : memref<10008x128xf32, #tpu.memory_space<vmem_shared>>)
      %barrier3A_213 = arith.constant 0 : index
      tpu.barrier barrier_id(%barrier3A_213)
      %scan3A_214 = arith.constant 0 : i32
      %scan3A_215 = arith.constant 0 : i32
      %scan3A_216 = arith.constant 8 : i32
      %scan3A_217 = arith.addi %scan3A_215, %scan3A_216 : i32
      %scan3A_218 = arith.constant 1 : i32
      scf.for %scan3A_220 = %scan3A_215 to %scan3A_217 step %scan3A_218  : i32 {
        %mul3A_221 = arith.constant 16 : i32
        %mul3A_222 = arith.muli %scan3A_220, %mul3A_221 : i32
        %add3A_223 = arith.addi %arg1, %mul3A_222 : i32
        %lt3A_224 = arith.constant 125 : i32
        %lt3A_225 = arith.cmpi slt, %add3A_223, %lt3A_224 : i32
        %convert_element_type3A_226 = arith.extui %lt3A_225 : i1 to i32
        %cond3A_227 = arith.constant 0 : i32
        %cond3A_228 = arith.cmpi ne, %convert_element_type3A_226, %cond3A_227 : i32
        scf.if %cond3A_228 {
          %mul3A_229 = arith.constant 80 : i32
          %mul3A_230 = arith.muli %add3A_223, %mul3A_229 : i32
          %add3A_231 = arith.addi %mul3A_11, %mul3A_230 : i32
          "tpu.region"() ({
            %run_scoped3A = tpu.sem_alloc : memref<!tpu.dma_semaphore, #tpu.memory_space<semaphore_mem>>
            %dma_start3A_232 = arith.constant 0 : i32
            %dma_start3A_233 = tpu.memref_slice %arg5[%add3A_231, %dma_start3A_232] : memref<160000x128xf32, #tpu.memory_space<hbm>> -> memref<80x128xf32, #tpu.memory_space<hbm>>
            %dma_start3A_234 = arith.constant 0 : i32
            %dma_start3A_235 = tpu.memref_slice %arg11[%mul3A_230, %dma_start3A_234] : memref<10008x128xf32, #tpu.memory_space<vmem_shared>> -> memref<80x128xf32, #tpu.memory_space<vmem_shared>>
            tpu.enqueue_dma source(%dma_start3A_235 : memref<80x128xf32, #tpu.memory_space<vmem_shared>>) target(%dma_start3A_233 : memref<80x128xf32, #tpu.memory_space<hbm>>) target_semaphore(%run_scoped3A : memref<!tpu.dma_semaphore, #tpu.memory_space<semaphore_mem>>)
            %dma_wait3A_236 = arith.constant 0 : i32
            %dma_wait3A_237 = tpu.memref_slice %arg5[%add3A_231, %dma_wait3A_236] : memref<160000x128xf32, #tpu.memory_space<hbm>> -> memref<80x128xf32, #tpu.memory_space<hbm>>
            %dma_wait3A_238 = arith.constant 0 : i32
            %dma_wait3A_239 = tpu.memref_slice %arg11[%mul3A_230, %dma_wait3A_238] : memref<10008x128xf32, #tpu.memory_space<vmem_shared>> -> memref<80x128xf32, #tpu.memory_space<vmem_shared>>
            tpu.wait_dma2 semaphore(%run_scoped3A : memref<!tpu.dma_semaphore, #tpu.memory_space<semaphore_mem>>) src(%dma_wait3A_239 : memref<80x128xf32, #tpu.memory_space<vmem_shared>>) dst(%dma_wait3A_237 : memref<80x128xf32, #tpu.memory_space<hbm>>)
            tpu.yield
          }) : () -> ()
        } else {
        }
      }
      %scan3A_219 = arith.constant 8 : i32
    }
    %scan3A_7 = arith.constant 8 : i32
    return
  }
}

module attributes {stable_mosaic.version = 14 : i64} {
  func.func @_pro_body(%arg0: i32, %arg1: memref<2000x128xf32, #tpu.memory_space<vmem>>, %arg2: memref<2000x6xf32, #tpu.memory_space<vmem>>, %arg3: memref<6x128xf32, #tpu.memory_space<vmem>>, %arg4: memref<128x128xf32, #tpu.memory_space<vmem>>, %arg5: memref<1x128xf32, #tpu.memory_space<vmem>>, %arg6: memref<128x128xf32, #tpu.memory_space<vmem>>, %arg7: memref<1x128xf32, #tpu.memory_space<vmem>>, %arg8: memref<2000x128xf32, #tpu.memory_space<vmem>>, %arg9: memref<2000x128xf32, #tpu.memory_space<vmem>>) attributes {dimension_semantics = [#tpu.dimension_semantics<arbitrary>], iteration_bounds = array<i64: 80>, scalar_prefetch = 0 : i64, scratch_operands = 0 : i64, tpu.core_type = #tpu.core_type<tc>, window_params = [{transform_indices = @transform_0, window_bounds = array<i64: 2000, 128>}, {transform_indices = @transform_1, window_bounds = array<i64: 2000, 6>}, {pipeline_mode = #tpu.pipeline_mode<synchronous>, transform_indices = @transform_2, window_bounds = array<i64: 6, 128>}, {pipeline_mode = #tpu.pipeline_mode<synchronous>, transform_indices = @transform_3, window_bounds = array<i64: 128, 128>}, {pipeline_mode = #tpu.pipeline_mode<synchronous>, transform_indices = @transform_4, window_bounds = array<i64: 1, 128>}, {pipeline_mode = #tpu.pipeline_mode<synchronous>, transform_indices = @transform_5, window_bounds = array<i64: 128, 128>}, {pipeline_mode = #tpu.pipeline_mode<synchronous>, transform_indices = @transform_6, window_bounds = array<i64: 1, 128>}, {transform_indices = @transform_7, window_bounds = array<i64: 2000, 128>}, {transform_indices = @transform_8, window_bounds = array<i64: 2000, 128>}]} {
    %get3A = arith.constant 0 : index
    %get3A_0 = arith.constant 0 : index
    %get3A_1 = vector.load %arg1[%get3A, %get3A_0] : memref<2000x128xf32, #tpu.memory_space<vmem>>, vector<2000x128xf32>
    %get3A_2 = arith.constant 0 : index
    %get3A_3 = arith.constant 0 : index
    %get3A_4 = vector.load %arg6[%get3A_2, %get3A_3] : memref<128x128xf32, #tpu.memory_space<vmem>>, vector<128x128xf32>
    %dot_general3A = arith.constant dense<0.000000e+00> : vector<2000x128xf32>
    %dot_general3A_5 = tpu.matmul %get3A_1, %get3A_4, %dot_general3A {dimension_numbers = #tpu.dot_dimension_numbers<[1], [0], [0], [1], [0, 0, 1, 1], [], []>, transpose_lhs_hint = false} : vector<2000x128xf32>, vector<128x128xf32>, vector<2000x128xf32> -> vector<2000x128xf32>
    %get3A_6 = arith.constant 0 : index
    %get3A_7 = arith.constant 0 : index
    %get3A_8 = vector.load %arg7[%get3A_6, %get3A_7] : memref<1x128xf32, #tpu.memory_space<vmem>>, vector<1x128xf32>
    %add3A = vector.broadcast %get3A_8 : vector<1x128xf32> to vector<2000x128xf32>
    %add3A_9 = arith.addf %dot_general3A_5, %add3A : vector<2000x128xf32>
    %logistic3A = arith.negf %add3A_9 : vector<2000x128xf32>
    %logistic3A_10 = math.exp %logistic3A : vector<2000x128xf32>
    %logistic3A_11 = arith.constant 1.000000e+00 : f32
    %logistic3A_12 = vector.broadcast %logistic3A_11 : f32 to vector<2000x128xf32>
    %logistic3A_13 = arith.addf %logistic3A_12, %logistic3A_10 : vector<2000x128xf32>
    %logistic3A_14 = arith.divf %logistic3A_12, %logistic3A_13 : vector<2000x128xf32>
    %mul3A = arith.mulf %add3A_9, %logistic3A_14 : vector<2000x128xf32>
    %swap3A = arith.constant 0 : index
    %swap3A_15 = arith.constant 0 : index
    %swap3A_16 = vector.load %arg8[%swap3A, %swap3A_15] : memref<2000x128xf32, #tpu.memory_space<vmem>>, vector<2000x128xf32>
    tpu.vector_store %arg8[%swap3A, %swap3A_15], %mul3A {strides = array<i32>} : memref<2000x128xf32, #tpu.memory_space<vmem>>, vector<2000x128xf32>,
    %get3A_17 = arith.constant 0 : index
    %get3A_18 = arith.constant 0 : index
    %get3A_19 = vector.load %arg2[%get3A_17, %get3A_18] : memref<2000x6xf32, #tpu.memory_space<vmem>>, vector<2000x6xf32>
    %get3A_20 = arith.constant 0 : index
    %get3A_21 = arith.constant 0 : index
    %get3A_22 = vector.load %arg3[%get3A_20, %get3A_21] : memref<6x128xf32, #tpu.memory_space<vmem>>, vector<6x128xf32>
    %dot_general3A_23 = arith.constant dense<0.000000e+00> : vector<2000x128xf32>
    %dot_general3A_24 = tpu.matmul %get3A_19, %get3A_22, %dot_general3A_23 {dimension_numbers = #tpu.dot_dimension_numbers<[1], [0], [0], [1], [0, 0, 1, 1], [], []>, transpose_lhs_hint = false} : vector<2000x6xf32>, vector<6x128xf32>, vector<2000x128xf32> -> vector<2000x128xf32>
    %get3A_25 = arith.constant 0 : index
    %get3A_26 = arith.constant 0 : index
    %get3A_27 = vector.load %arg4[%get3A_25, %get3A_26] : memref<128x128xf32, #tpu.memory_space<vmem>>, vector<128x128xf32>
    %dot_general3A_28 = arith.constant dense<0.000000e+00> : vector<2000x128xf32>
    %dot_general3A_29 = tpu.matmul %get3A_1, %get3A_27, %dot_general3A_28 {dimension_numbers = #tpu.dot_dimension_numbers<[1], [0], [0], [1], [0, 0, 1, 1], [], []>, transpose_lhs_hint = false} : vector<2000x128xf32>, vector<128x128xf32>, vector<2000x128xf32> -> vector<2000x128xf32>
    %get3A_30 = arith.constant 0 : index
    %get3A_31 = arith.constant 0 : index
    %get3A_32 = vector.load %arg5[%get3A_30, %get3A_31] : memref<1x128xf32, #tpu.memory_space<vmem>>, vector<1x128xf32>
    %add3A_33 = vector.broadcast %get3A_32 : vector<1x128xf32> to vector<2000x128xf32>
    %add3A_34 = arith.addf %dot_general3A_29, %add3A_33 : vector<2000x128xf32>
    %logistic3A_35 = arith.negf %add3A_34 : vector<2000x128xf32>
    %logistic3A_36 = math.exp %logistic3A_35 : vector<2000x128xf32>
    %logistic3A_37 = arith.constant 1.000000e+00 : f32
    %logistic3A_38 = vector.broadcast %logistic3A_37 : f32 to vector<2000x128xf32>
    %logistic3A_39 = arith.addf %logistic3A_38, %logistic3A_36 : vector<2000x128xf32>
    %logistic3A_40 = arith.divf %logistic3A_38, %logistic3A_39 : vector<2000x128xf32>
    %mul3A_41 = arith.mulf %add3A_34, %logistic3A_40 : vector<2000x128xf32>
    %mul3A_42 = arith.mulf %mul3A_41, %dot_general3A_24 : vector<2000x128xf32>
    %swap3A_43 = arith.constant 0 : index
    %swap3A_44 = arith.constant 0 : index
    %swap3A_45 = vector.load %arg9[%swap3A_43, %swap3A_44] : memref<2000x128xf32, #tpu.memory_space<vmem>>, vector<2000x128xf32>
    tpu.vector_store %arg9[%swap3A_43, %swap3A_44], %mul3A_42 {strides = array<i32>} : memref<2000x128xf32, #tpu.memory_space<vmem>>, vector<2000x128xf32>,
    return
  }
  func.func @transform_0(%arg0: i32) -> (i32, i32) {
    %c0_i32 = arith.constant 0 : i32
    %c0_i32_0 = arith.constant 0 : i32
    return %arg0, %c0_i32 : i32, i32
  }
  func.func @transform_1(%arg0: i32) -> (i32, i32) {
    %c0_i32 = arith.constant 0 : i32
    %c0_i32_0 = arith.constant 0 : i32
    return %arg0, %c0_i32 : i32, i32
  }
  func.func @transform_2(%arg0: i32) -> (i32, i32) {
    %c0_i32 = arith.constant 0 : i32
    %c0_i32_0 = arith.constant 0 : i32
    %c0_i32_1 = arith.constant 0 : i32
    return %c0_i32, %c0_i32_0 : i32, i32
  }
  func.func @transform_3(%arg0: i32) -> (i32, i32) {
    %c0_i32 = arith.constant 0 : i32
    %c0_i32_0 = arith.constant 0 : i32
    %c0_i32_1 = arith.constant 0 : i32
    return %c0_i32, %c0_i32_0 : i32, i32
  }
  func.func @transform_4(%arg0: i32) -> (i32, i32) {
    %c0_i32 = arith.constant 0 : i32
    %c0_i32_0 = arith.constant 0 : i32
    %c0_i32_1 = arith.constant 0 : i32
    return %c0_i32, %c0_i32_0 : i32, i32
  }
  func.func @transform_5(%arg0: i32) -> (i32, i32) {
    %c0_i32 = arith.constant 0 : i32
    %c0_i32_0 = arith.constant 0 : i32
    %c0_i32_1 = arith.constant 0 : i32
    return %c0_i32, %c0_i32_0 : i32, i32
  }
  func.func @transform_6(%arg0: i32) -> (i32, i32) {
    %c0_i32 = arith.constant 0 : i32
    %c0_i32_0 = arith.constant 0 : i32
    %c0_i32_1 = arith.constant 0 : i32
    return %c0_i32, %c0_i32_0 : i32, i32
  }
  func.func @transform_7(%arg0: i32) -> (i32, i32) {
    %c0_i32 = arith.constant 0 : i32
    %c0_i32_0 = arith.constant 0 : i32
    return %arg0, %c0_i32 : i32, i32
  }
  func.func @transform_8(%arg0: i32) -> (i32, i32) {
    %c0_i32 = arith.constant 0 : i32
    %c0_i32_0 = arith.constant 0 : i32
    return %arg0, %c0_i32 : i32, i32
  }
}

module attributes {stable_mosaic.version = 14 : i64} {
  func.func @_bil_body(%arg0: i32, %arg1: memref<1280x128xf32, #tpu.memory_space<vmem>>, %arg2: memref<1280x42xf32, #tpu.memory_space<vmem>>, %arg3: memref<42x8xf32, #tpu.memory_space<vmem>>, %arg4: memref<128x1024xbf16, #tpu.memory_space<vmem>>, %arg5: memref<1280x128xf32, #tpu.memory_space<vmem>>) attributes {dimension_semantics = [#tpu.dimension_semantics<arbitrary>], iteration_bounds = array<i64: 375>, scalar_prefetch = 0 : i64, scratch_operands = 0 : i64, tpu.core_type = #tpu.core_type<tc>, window_params = [{transform_indices = @transform_0, window_bounds = array<i64: 1280, 128>}, {transform_indices = @transform_1, window_bounds = array<i64: 1280, 42>}, {pipeline_mode = #tpu.pipeline_mode<synchronous>, transform_indices = @transform_2, window_bounds = array<i64: 42, 8>}, {pipeline_mode = #tpu.pipeline_mode<synchronous>, transform_indices = @transform_3, window_bounds = array<i64: 128, 1024>}, {transform_indices = @transform_4, window_bounds = array<i64: 1280, 128>}]} {
    %get3A = arith.constant 0 : index
    %get3A_0 = arith.constant 0 : index
    %get3A_1 = vector.load %arg2[%get3A, %get3A_0] : memref<1280x42xf32, #tpu.memory_space<vmem>>, vector<1280x42xf32>
    %get3A_2 = arith.constant 0 : index
    %get3A_3 = arith.constant 0 : index
    %get3A_4 = vector.load %arg3[%get3A_2, %get3A_3] : memref<42x8xf32, #tpu.memory_space<vmem>>, vector<42x8xf32>
    %dot_general3A = arith.constant dense<0.000000e+00> : vector<1280x8xf32>
    %dot_general3A_5 = tpu.matmul %get3A_1, %get3A_4, %dot_general3A {dimension_numbers = #tpu.dot_dimension_numbers<[1], [0], [0], [1], [0, 0, 1, 1], [], []>, transpose_lhs_hint = false} : vector<1280x42xf32>, vector<42x8xf32>, vector<1280x8xf32> -> vector<1280x8xf32>
    %get3A_6 = arith.constant 0 : index
    %get3A_7 = arith.constant 0 : index
    %get3A_8 = vector.load %arg1[%get3A_6, %get3A_7] : memref<1280x128xf32, #tpu.memory_space<vmem>>, vector<1280x128xf32>
    %convert_element_type3A = arith.truncf %get3A_8 : vector<1280x128xf32> to vector<1280x128xbf16>
    %get3A_9 = arith.constant 0 : index
    %get3A_10 = arith.constant 0 : index
    %get3A_11 = vector.load %arg4[%get3A_9, %get3A_10] : memref<128x1024xbf16, #tpu.memory_space<vmem>>, vector<128x1024xbf16>
    %dot_general3A_12 = arith.constant dense<0.000000e+00> : vector<1280x1024xf32>
    %dot_general3A_13 = tpu.matmul %convert_element_type3A, %get3A_11, %dot_general3A_12 {dimension_numbers = #tpu.dot_dimension_numbers<[1], [0], [0], [1], [0, 0, 1, 1], [], []>, transpose_lhs_hint = false} : vector<1280x128xbf16>, vector<128x1024xbf16>, vector<1280x1024xf32> -> vector<1280x1024xf32>
    %slice3A = vector.extract_strided_slice %dot_general3A_5 {offsets = [0, 0], sizes = [1280, 1], strides = [1, 1]} : vector<1280x8xf32> to vector<1280x1xf32>
    %slice3A_14 = vector.extract_strided_slice %dot_general3A_13 {offsets = [0, 0], sizes = [1280, 128], strides = [1, 1]} : vector<1280x1024xf32> to vector<1280x128xf32>
    %mul3A = vector.broadcast %slice3A : vector<1280x1xf32> to vector<1280x128xf32>
    %mul3A_15 = arith.mulf %mul3A, %slice3A_14 : vector<1280x128xf32>
    %slice3A_16 = vector.extract_strided_slice %dot_general3A_5 {offsets = [0, 1], sizes = [1280, 1], strides = [1, 1]} : vector<1280x8xf32> to vector<1280x1xf32>
    %slice3A_17 = vector.extract_strided_slice %dot_general3A_13 {offsets = [0, 128], sizes = [1280, 128], strides = [1, 1]} : vector<1280x1024xf32> to vector<1280x128xf32>
    %mul3A_18 = vector.broadcast %slice3A_16 : vector<1280x1xf32> to vector<1280x128xf32>
    %mul3A_19 = arith.mulf %mul3A_18, %slice3A_17 : vector<1280x128xf32>
    %add3A = arith.addf %mul3A_15, %mul3A_19 : vector<1280x128xf32>
    %slice3A_20 = vector.extract_strided_slice %dot_general3A_5 {offsets = [0, 2], sizes = [1280, 1], strides = [1, 1]} : vector<1280x8xf32> to vector<1280x1xf32>
    %slice3A_21 = vector.extract_strided_slice %dot_general3A_13 {offsets = [0, 256], sizes = [1280, 128], strides = [1, 1]} : vector<1280x1024xf32> to vector<1280x128xf32>
    %mul3A_22 = vector.broadcast %slice3A_20 : vector<1280x1xf32> to vector<1280x128xf32>
    %mul3A_23 = arith.mulf %mul3A_22, %slice3A_21 : vector<1280x128xf32>
    %add3A_24 = arith.addf %add3A, %mul3A_23 : vector<1280x128xf32>
    %slice3A_25 = vector.extract_strided_slice %dot_general3A_5 {offsets = [0, 3], sizes = [1280, 1], strides = [1, 1]} : vector<1280x8xf32> to vector<1280x1xf32>
    %slice3A_26 = vector.extract_strided_slice %dot_general3A_13 {offsets = [0, 384], sizes = [1280, 128], strides = [1, 1]} : vector<1280x1024xf32> to vector<1280x128xf32>
    %mul3A_27 = vector.broadcast %slice3A_25 : vector<1280x1xf32> to vector<1280x128xf32>
    %mul3A_28 = arith.mulf %mul3A_27, %slice3A_26 : vector<1280x128xf32>
    %add3A_29 = arith.addf %add3A_24, %mul3A_28 : vector<1280x128xf32>
    %slice3A_30 = vector.extract_strided_slice %dot_general3A_5 {offsets = [0, 4], sizes = [1280, 1], strides = [1, 1]} : vector<1280x8xf32> to vector<1280x1xf32>
    %slice3A_31 = vector.extract_strided_slice %dot_general3A_13 {offsets = [0, 512], sizes = [1280, 128], strides = [1, 1]} : vector<1280x1024xf32> to vector<1280x128xf32>
    %mul3A_32 = vector.broadcast %slice3A_30 : vector<1280x1xf32> to vector<1280x128xf32>
    %mul3A_33 = arith.mulf %mul3A_32, %slice3A_31 : vector<1280x128xf32>
    %add3A_34 = arith.addf %add3A_29, %mul3A_33 : vector<1280x128xf32>
    %slice3A_35 = vector.extract_strided_slice %dot_general3A_5 {offsets = [0, 5], sizes = [1280, 1], strides = [1, 1]} : vector<1280x8xf32> to vector<1280x1xf32>
    %slice3A_36 = vector.extract_strided_slice %dot_general3A_13 {offsets = [0, 640], sizes = [1280, 128], strides = [1, 1]} : vector<1280x1024xf32> to vector<1280x128xf32>
    %mul3A_37 = vector.broadcast %slice3A_35 : vector<1280x1xf32> to vector<1280x128xf32>
    %mul3A_38 = arith.mulf %mul3A_37, %slice3A_36 : vector<1280x128xf32>
    %add3A_39 = arith.addf %add3A_34, %mul3A_38 : vector<1280x128xf32>
    %slice3A_40 = vector.extract_strided_slice %dot_general3A_5 {offsets = [0, 6], sizes = [1280, 1], strides = [1, 1]} : vector<1280x8xf32> to vector<1280x1xf32>
    %slice3A_41 = vector.extract_strided_slice %dot_general3A_13 {offsets = [0, 768], sizes = [1280, 128], strides = [1, 1]} : vector<1280x1024xf32> to vector<1280x128xf32>
    %mul3A_42 = vector.broadcast %slice3A_40 : vector<1280x1xf32> to vector<1280x128xf32>
    %mul3A_43 = arith.mulf %mul3A_42, %slice3A_41 : vector<1280x128xf32>
    %add3A_44 = arith.addf %add3A_39, %mul3A_43 : vector<1280x128xf32>
    %slice3A_45 = vector.extract_strided_slice %dot_general3A_5 {offsets = [0, 7], sizes = [1280, 1], strides = [1, 1]} : vector<1280x8xf32> to vector<1280x1xf32>
    %slice3A_46 = vector.extract_strided_slice %dot_general3A_13 {offsets = [0, 896], sizes = [1280, 128], strides = [1, 1]} : vector<1280x1024xf32> to vector<1280x128xf32>
    %mul3A_47 = vector.broadcast %slice3A_45 : vector<1280x1xf32> to vector<1280x128xf32>
    %mul3A_48 = arith.mulf %mul3A_47, %slice3A_46 : vector<1280x128xf32>
    %add3A_49 = arith.addf %add3A_44, %mul3A_48 : vector<1280x128xf32>
    %swap3A = arith.constant 0 : index
    %swap3A_50 = arith.constant 0 : index
    %swap3A_51 = vector.load %arg5[%swap3A, %swap3A_50] : memref<1280x128xf32, #tpu.memory_space<vmem>>, vector<1280x128xf32>
    tpu.vector_store %arg5[%swap3A, %swap3A_50], %add3A_49 {strides = array<i32>} : memref<1280x128xf32, #tpu.memory_space<vmem>>, vector<1280x128xf32>,
    return
  }
  func.func @transform_0(%arg0: i32) -> (i32, i32) {
    %c0_i32 = arith.constant 0 : i32
    %c0_i32_0 = arith.constant 0 : i32
    return %arg0, %c0_i32 : i32, i32
  }
  func.func @transform_1(%arg0: i32) -> (i32, i32) {
    %c0_i32 = arith.constant 0 : i32
    %c0_i32_0 = arith.constant 0 : i32
    return %arg0, %c0_i32 : i32, i32
  }
  func.func @transform_2(%arg0: i32) -> (i32, i32) {
    %c0_i32 = arith.constant 0 : i32
    %c0_i32_0 = arith.constant 0 : i32
    %c0_i32_1 = arith.constant 0 : i32
    return %c0_i32, %c0_i32_0 : i32, i32
  }
  func.func @transform_3(%arg0: i32) -> (i32, i32) {
    %c0_i32 = arith.constant 0 : i32
    %c0_i32_0 = arith.constant 0 : i32
    %c0_i32_1 = arith.constant 0 : i32
    return %c0_i32, %c0_i32_0 : i32, i32
  }
  func.func @transform_4(%arg0: i32) -> (i32, i32) {
    %c0_i32 = arith.constant 0 : i32
    %c0_i32_0 = arith.constant 0 : i32
    return %arg0, %c0_i32 : i32, i32
  }
}

module attributes {stable_mosaic.version = 14 : i64} {
  func.func @_epi_body(%arg0: i32, %arg1: memref<2000x128xf32, #tpu.memory_space<vmem>>, %arg2: memref<128x128xf32, #tpu.memory_space<vmem>>, %arg3: memref<1x128xf32, #tpu.memory_space<vmem>>, %arg4: memref<2000x128xf32, #tpu.memory_space<vmem>>) attributes {dimension_semantics = [#tpu.dimension_semantics<arbitrary>], iteration_bounds = array<i64: 80>, scalar_prefetch = 0 : i64, scratch_operands = 0 : i64, tpu.core_type = #tpu.core_type<tc>, window_params = [{transform_indices = @transform_0, window_bounds = array<i64: 2000, 128>}, {pipeline_mode = #tpu.pipeline_mode<synchronous>, transform_indices = @transform_1, window_bounds = array<i64: 128, 128>}, {pipeline_mode = #tpu.pipeline_mode<synchronous>, transform_indices = @transform_2, window_bounds = array<i64: 1, 128>}, {transform_indices = @transform_3, window_bounds = array<i64: 2000, 128>}]} {
    %get3A = arith.constant 0 : index
    %get3A_0 = arith.constant 0 : index
    %get3A_1 = vector.load %arg1[%get3A, %get3A_0] : memref<2000x128xf32, #tpu.memory_space<vmem>>, vector<2000x128xf32>
    %get3A_2 = arith.constant 0 : index
    %get3A_3 = arith.constant 0 : index
    %get3A_4 = vector.load %arg2[%get3A_2, %get3A_3] : memref<128x128xf32, #tpu.memory_space<vmem>>, vector<128x128xf32>
    %dot_general3A = arith.constant dense<0.000000e+00> : vector<2000x128xf32>
    %dot_general3A_5 = tpu.matmul %get3A_1, %get3A_4, %dot_general3A {dimension_numbers = #tpu.dot_dimension_numbers<[1], [0], [0], [1], [0, 0, 1, 1], [], []>, transpose_lhs_hint = false} : vector<2000x128xf32>, vector<128x128xf32>, vector<2000x128xf32> -> vector<2000x128xf32>
    %get3A_6 = arith.constant 0 : index
    %get3A_7 = arith.constant 0 : index
    %get3A_8 = vector.load %arg3[%get3A_6, %get3A_7] : memref<1x128xf32, #tpu.memory_space<vmem>>, vector<1x128xf32>
    %add3A = vector.broadcast %get3A_8 : vector<1x128xf32> to vector<2000x128xf32>
    %add3A_9 = arith.addf %dot_general3A_5, %add3A : vector<2000x128xf32>
    %logistic3A = arith.negf %add3A_9 : vector<2000x128xf32>
    %logistic3A_10 = math.exp %logistic3A : vector<2000x128xf32>
    %logistic3A_11 = arith.constant 1.000000e+00 : f32
    %logistic3A_12 = vector.broadcast %logistic3A_11 : f32 to vector<2000x128xf32>
    %logistic3A_13 = arith.addf %logistic3A_12, %logistic3A_10 : vector<2000x128xf32>
    %logistic3A_14 = arith.divf %logistic3A_12, %logistic3A_13 : vector<2000x128xf32>
    %mul3A = arith.mulf %add3A_9, %logistic3A_14 : vector<2000x128xf32>
    %swap3A = arith.constant 0 : index
    %swap3A_15 = arith.constant 0 : index
    %swap3A_16 = vector.load %arg4[%swap3A, %swap3A_15] : memref<2000x128xf32, #tpu.memory_space<vmem>>, vector<2000x128xf32>
    tpu.vector_store %arg4[%swap3A, %swap3A_15], %mul3A {strides = array<i32>} : memref<2000x128xf32, #tpu.memory_space<vmem>>, vector<2000x128xf32>,
    return
  }
  func.func @transform_0(%arg0: i32) -> (i32, i32) {
    %c0_i32 = arith.constant 0 : i32
    %c0_i32_0 = arith.constant 0 : i32
    return %arg0, %c0_i32 : i32, i32
  }
  func.func @transform_1(%arg0: i32) -> (i32, i32) {
    %c0_i32 = arith.constant 0 : i32
    %c0_i32_0 = arith.constant 0 : i32
    %c0_i32_1 = arith.constant 0 : i32
    return %c0_i32, %c0_i32_0 : i32, i32
  }
  func.func @transform_2(%arg0: i32) -> (i32, i32) {
    %c0_i32 = arith.constant 0 : i32
    %c0_i32_0 = arith.constant 0 : i32
    %c0_i32_1 = arith.constant 0 : i32
    return %c0_i32, %c0_i32_0 : i32, i32
  }
  func.func @transform_3(%arg0: i32) -> (i32, i32) {
    %c0_i32 = arith.constant 0 : i32
    %c0_i32_0 = arith.constant 0 : i32
    return %arg0, %c0_i32 : i32, i32
  }
}

</mosaic_0001>

<sc_bundles>
// kernel: kernel.10.cloned.1.call-start
scs
__scs_entry_jumppad:
0x0: {  	(pc) =	sbr.rel $0x88, $3  }
0x1: {  	(tag) =	ssettag $0x0;
	lr =	simm.s32 $0x1  }
0x2: {  	[smem:$0x3F93] =	sst lr;
	_ =	strace $0xD0000000  }
0x3: {  	_ = 	snop  }
0x4: {  	_ = 	snop  }
0x5: {  	_ = 	snop  }
0x6: {  	_ = 	snop  }
0x7: {  	_ = 	snop  }
__scs_overlays_trampoline_lowered:
0x8: {  	[smem:$0x3FA2] =	sst s0  }
0x9: {  	[smem:$0x3FA3] =	sst s1  }
0xa: {  	[smem:$0x3FA4] =	sst s2  }
0xb: {  	[smem:$0x3FA5] =	sst s3  }
0xc: {  	[smem:$0x3FA6] =	sst s4  }
0xd: {  	[smem:$0x3FA7] =	sst s5  }
0xe: {  	[smem:$0x3FA8] =	sst s6  }
0xf: {  	[smem:$0x3FA9] =	sst s7  }
0x10: {  	[smem:$0x3FAA] =	sst s8  }
0x11: {  	[smem:$0x3FAB] =	sst s9;
	s0 =	simm.s32 @!p0 $0x0  }
0x12: {  	s1 =	sld [smem:$0x3F91];
	s0 =	simm.s32 @p0 $0x1  }
0x13: {  	[smem:$0x3FAC] =	sst s0;
	s0 =	simm.s32 @!p1 $0x0  }
0x14: {  	s2 =	sld [smem:$0x3F90];
	s0 =	simm.s32 @p1 $0x1  }
0x15: {  	[smem:$0x3FAD] =	sst s0;
	s0 =	simm.s32 @!p2 $0x0  }
0x16: {  	s3 =	sld [smem:$0x3FDB];
	s0 =	simm.s32 @p2 $0x1  }
0x17: {  	s4 =	simm.s32 $0x1BF5;
	[smem:$0x3FAF] =	sst s0  }
0x18: {  	s0 =	sld [smem:$0x3F92];
	_ =	swait.ge [sflag:s4], $0x0  }
0x19: {  	s7 =	sld [smem:$0x3F93]  }
0x1a: {  	s8 =	sadd.s32 $0xFFFFE003, lr  }
0x1b: {  	s9 =	sadd.s32 $0xFFFFFEF7, lr;
	s5 =	simm.s32 $0xFFFFFFFF;
	p2 =	slt.u32 s8, $0xFFFFF086  }
0x1c: {  	p1 =	slt.u32 s9, $0xF7A;
	s5 =	simm.s32 @!p2 $0x0  }
0x1d: {  	s5 =	simm.s32 @p1 $0x1;
	p0 =	seq.s32 s7, s2  }
0x1e: {  	s7 =	smul.u32 @!p0 $0xF7A, s2;
	p2 =	seq.s32 @!p0 s5, $0x0  }
0x1f: {  	s9 =	smul.u32 $0xF7A, s1;
	s8 =	simm.s32 @!p0 $0x1BF5;
	p2 =	por !p2, p0  }
0x20: {  	[sflag:s8] =	ssyncset.s32 @!p0 $0xFFFFF086;
	s6 =	sadd.s32 @!p0 s3, s7;
	s7 =	simm.s32 @!p0 $0x108  }
0x21: {  	s3 =	sadd.s32 s3, s9;
	s6 =	sadd.s32 @!p0 $0x88, s6;
	s7 =	simm.s32 @p2 $0x1082  }
0x22: {  	[simem:s7], [sflag:s8] =	dma.local @!p0 [hbm:s6], $0xF7A  }
0x23: {  	s9 =	sor.u32 $0xD0000000, s2;
	s6 =	simm.s32 $0x108;
	_ =	swait.ge @!p0 [sflag:s8], $0x0  }
0x24: {  	s3 =	sadd.s32 $0x88, s3;
	s6 =	simm.s32 @!p1 $0x1082;
	[sflag:s4] =	ssyncset.s32 $0xFFFFF086  }
0x25: {  	[simem:s6], [sflag:s4] =	dma.local [hbm:s3], $0xF7A  }
0x26: {  	[smem:$0x3F93] =	sst s1;
	(tag) =	ssettag s2;
	_ =	strace s9  }
0x27: {  	s1 =	sld [smem:$0x3FA3]  }
0x28: {  	s2 =	sld [smem:$0x3FA4]  }
0x29: {  	s4 =	sld [smem:$0x3FA6]  }
0x2a: {  	p0 =	seq.s32 s5, $0x0;
	s5 =	sld [smem:$0x3FA7]  }
0x2b: {  	s6 =	sld [smem:$0x3FA8]  }
0x2c: {  	s7 =	sld [smem:$0x3FA9]  }
0x2d: {  	s3 =	simm.s32 $0x108;
	s8 =	sld [smem:$0x3FAA]  }
0x2e: {  	s3 =	simm.s32 @!p0 $0x1082;
	s9 =	sld [smem:$0x3FAB]  }
0x2f: {  	lr =	sadd.s32 s0, s3;
	s0 =	sld [smem:$0x3FA2]  }
0x30: {  	s3 =	sld [smem:$0x3FA5]  }
0x31: {  	[smem:$0x3FAE] =	sst s10  }
0x32: {  	s10 =	sld [smem:$0x3FAC];
	_ =	sdelay $0x3  }
0x33: {  	p0 =	seq.s32 s10, $0x1;
	s10 =	sld [smem:$0x3FAE];
	_ =	sdelay $0x3  }
0x34: {  	[smem:$0x3FAE] =	sst s10  }
0x35: {  	s10 =	sld [smem:$0x3FAD];
	_ =	sdelay $0x3  }
0x36: {  	p1 =	seq.s32 s10, $0x1;
	s10 =	sld [smem:$0x3FAE];
	_ =	sdelay $0x3  }
0x37: {  	[smem:$0x3FAE] =	sst s10  }
0x38: {  	s10 =	sld [smem:$0x3FAF]  }
0x39: {  	_ = 	snop;
	(pc) =	sbr.ind lr, $3  }
0x3a: {  	_ = 	snop  }
0x3b: {  	_ = 	snop  }
0x3c: {  	p2 =	seq.s32 s10, $0x1;
	s10 =	sld [smem:$0x3FAE]  }
0x3d: {  	_ =	shalt  }
0x3e: {  	_ =	shalt  }
0x3f: {  	_ =	shalt  }
0x40: {  	_ =	shalt  }
0x41: {  	_ =	shalt  }
0x42: {  	_ =	shalt  }
0x43: {  	_ =	shalt  }
0x44: {  	_ =	shalt  }
0x45: {  	_ =	shalt  }
0x46: {  	_ =	shalt  }
0x47: {  	_ =	shalt  }
0x48: {  	_ =	shalt  }
0x49: {  	_ =	shalt  }
0x4a: {  	_ =	shalt  }
0x4b: {  	_ =	shalt  }
0x4c: {  	_ =	shalt  }
0x4d: {  	_ =	shalt  }
0x4e: {  	_ =	shalt  }
0x4f: {  	_ =	shalt  }
0x50: {  	_ =	shalt  }
0x51: {  	_ =	shalt  }
0x52: {  	_ =	shalt  }
0x53: {  	_ =	shalt  }
0x54: {  	_ =	shalt  }
0x55: {  	_ =	shalt  }
0x56: {  	_ =	shalt  }
0x57: {  	_ =	shalt  }
0x58: {  	_ =	shalt  }
0x59: {  	_ =	shalt  }
0x5a: {  	_ =	shalt  }
0x5b: {  	_ =	shalt  }
0x5c: {  	_ =	shalt  }
0x5d: {  	_ =	shalt  }
0x5e: {  	_ =	shalt  }
0x5f: {  	_ =	shalt  }
0x60: {  	_ =	shalt  }
0x61: {  	_ =	shalt  }
0x62: {  	_ =	shalt  }
0x63: {  	_ =	shalt  }
0x64: {  	_ =	shalt  }
0x65: {  	_ =	shalt  }
0x66: {  	_ =	shalt  }
0x67: {  	_ =	shalt  }
0x68: {  	_ =	shalt  }
0x69: {  	_ =	shalt  }
0x6a: {  	_ =	shalt  }
0x6b: {  	_ =	shalt  }
0x6c: {  	_ =	shalt  }
0x6d: {  	_ =	shalt  }
0x6e: {  	_ =	shalt  }
0x6f: {  	_ =	shalt  }
0x70: {  	_ =	shalt  }
0x71: {  	_ =	shalt  }
0x72: {  	_ =	shalt  }
0x73: {  	_ =	shalt  }
0x74: {  	_ =	shalt  }
0x75: {  	_ =	shalt  }
0x76: {  	_ =	shalt  }
0x77: {  	_ =	shalt  }
0x78: {  	_ =	shalt  }
0x79: {  	_ =	shalt  }
0x7a: {  	_ =	shalt  }
0x7b: {  	_ =	shalt  }
0x7c: {  	_ =	shalt  }
0x7d: {  	_ =	shalt  }
0x7e: {  	_ =	shalt  }
0x7f: {  	_ =	shalt  }
0x80: {  	_ =	shalt  }
0x81: {  	_ =	shalt  }
0x82: {  	_ =	shalt  }
0x83: {  	_ =	shalt  }
0x84: {  	_ =	shalt  }
0x85: {  	_ =	shalt  }
0x86: {  	_ =	shalt  }
0x87: {  	_ =	shalt  }
.Lfunc_end0:
.L_simem_size_0:
called_computation.1_lowered:
.L_overlay_start_0:
0x88: {  	s2 =	sld [smem:$0x3FD9]  }
0x89: {  	s3 =	sld [smem:$0x3FFE];
	_ =	sdelay $0x1  }
0x8a: {  	s1 =	srdreg.scid  }
0x8b: {  	s0 =	sand.u32 $0x1, s1  }
0x8c: {  	s17 =	sshll.u32 s0, $0xA;
	s2 =	sadd.s32 s3, s2  }
0x8d: {  	s2 =	sadd.s32 s2, s17  }
0x8e: {  	[smem:$0x3FBA] =	sst s2  }
0x8f: {  	_ = 	snop  }
0x90: {  	s2 =	sld [smem:$0x3FD0];
	(tm) =	ssettm $0x1  }
0x91: {  	s18 =	sld [smem:$0x3FFB];
	_ =	sdelay $0x3  }
0x92: {  	_ =	strace s18  }
0x93: {  	s3 =	sld [smem:$0x3FFC];
	_ =	sdelay $0x3  }
0x94: {  	_ =	strace s3  }
0x95: {  	s3 =	sld [smem:$0x3FFD];
	_ =	sdelay $0x3  }
0x96: {  	_ =	strace s3  }
0x97: {  	_ =	strace $0x8FFFFFFF  }
0x98: {  	s19 =	sld [smem:$0x3FDB];
	_ =	sdelay $0x1  }
0x99: {  	s4 =	simm.s32 $_scs_section_size  }
0x9a: {  	s5 =	simm.s32 $_size__tile_overlayer_lowered;
	s6 =	simm.s32 $_tile_overlayer_lowered  }
0x9b: {  	s22 =	simm.s32 $0x1BFF;
	s21 =	sshll.u32 s6, $0x1;
	s3 =	sadd.s32 s4, s19  }
0x9c: {  	s7 =	simm.s32 $0x0;
	s20 =	sshll.u32 s5, $0x1;
	s5 =	sadd.s32 s21, s3  }
0x9d: {  	[timem:s7], [sflag:s22] =	dma.local [hbm:s5], s20  }
0x9e: {  	_ =	swait.ge [sflag:s22], s20  }
0x9f: {  	s4 =	ssub.s32 $0x0, s20;
	[sflag:s22] =	ssyncset.done $0x0  }
0xa0: {  	[sflag:s22] =	ssyncadd.s32 s4;
	_ =	sdelay $0x1  }
0xa1: {  	s23 =	simm.s32 $0x1B8B  }
0xa2: {  	_ =	swait.ge [sflag:s23], $0x1  }
0xa3: {  	[sflag:s23] =	ssyncset.done $0x0  }
0xa4: {  	s25 =	simm.s32 $0x1B8E;
	s24 =	sld [smem:$0x3FFE];
	[sflag:s23] =	ssyncadd.s32 $0xFFFFFFFF  }
0xa5: {  	s26 =	simm.s32 $execute0_lowered;
	[smem:$0x3FD2] =	sst s25  }
0xa6: {  	s5 =	sshll.u32 s26, $0x1;
	_ =	strace $0x80000049;
	[dreg:$0x1] =	wrdreg $0xFFFFFFFF  }
0xa7: {  	s28 =	simm.s32 $_size_execute0_lowered;
	s3 =	sadd.s32 s3, s5;
	[dreg:$0x0] =	wrdreg $0x0  }
0xa8: {  	s5 =	sshll.u32 s28, $0x1;
	[dreg:$0x2] =	wrdreg s3  }
0xa9: {  	[dreg:$0x3] =	wrdreg s5  }
0xaa: {  	[dreg:$0x4] =	wrdreg $0xC0  }
0xab: {  	_ =	task [dreg:s7], $0x5FFFF  }
0xac: {  	[dreg:$0x1] =	wrdreg $0xFFFFFFFF  }
0xad: {  	[dreg:$0x0] =	wrdreg $0x60  }
0xae: {  	[dreg:$0x2] =	wrdreg s2  }
0xaf: {  	[dreg:$0x3] =	wrdreg s24  }
0xb0: {  	[dreg:$0x4] =	wrdreg $0x89000  }
0xb1: {  	[dreg:$0x5] =	wrdreg $0x9  }
0xb2: {  	_ =	task.clear_ibuf [dreg:s7], $0x6FFFF;
	_ =	strace $0x90000049  }
0xb3: {  	s29 =	simm.s32 $0x9;
	_ =	strace $0x8000004B  }
0xb4: {  	_ =	swait.ge [sflag:s29], $0x1  }
0xb5: {  	[sflag:s29] =	ssyncadd.s32 $0xFFFFFFFF  }
0xb6: {  	_ =	strace $0x9000004B  }
0xb7: {  	_ =	sfence  }
0xb8: {  	s30 =	sld [smem:$0x0];
	_ =	sdelay $0x2  }
0xb9: {  	s31 =	sshll.u32 s1, $0xD;
	s1 =	sshrl.u32 s1, $0x2  }
0xba: {  	s3 =	sand.u32 $0x4000, s31;
	s1 =	sadd.s32 s1, s30  }
0xbb: {  	s0 =	sor.u32 s3, s0;
	s1 =	sshll.u32 s1, $0x11  }
0xbc: {  	s0 =	sor.u32 s1, s0  }
0xbd: {  	s0 =	sadd.s32 $0x8F2B, s0  }
0xbe: {  	[sflag:s0] =	ssyncadd.remote.s32 $0x1  }
0xbf: {  	_ =	sfence.sel $0xFFFF  }
0xc0: {  	[dreg:$0x0] =	wrdreg $0xFFFFFFFF;
	(pc) =	sbr.abs _section_cstart, $3  }
0xc1: {  	[dreg:$0x1] =	wrdreg $0xFFFFFFFF  }
0xc2: {  	_ =	task.clear_ibuf [dreg:s7], $0x2FFFF;
	_ =	strace $0x9FFFFFFF  }
0xc3: {  	(tm) =	ssettm $0x7FFFFFFF  }
tec
execute0_lowered:
.L_overlay_start_1:
0x0: {  	(tag) =	ssettag $0x1  }
0x1: {  	s1 =	rddreg [dreg:$0x0]  }
0x2: {  	s0 =	rddreg [dreg:$0x1]  }
0x3: {  	s2 =	rddreg [dreg:$0x2];
	s12 =	simm.s32 $0x0;
	s13 =	stileid.u32  }
0x4: {  	s3 =	srdreg.scid;
	s6 =	smul.u32 $0xA000, s13;
	s4 =	sor.u32 $0x10, s13  }
0x5: {  	[smem:$0x7FF] =	sst s12;
	s5 =	sadd.s32 $0x13A3000, s0;
	s10 =	smul.u32 $0xA000, s4  }
0x6: {  	s3 =	sand.u32 $0x1, s3;
	s20 =	sor.u32 $0x20, s13;
	s4 =	smul.u32 $0x50, s4  }
0x7: {  	s7 =	sadd.s32 $0x28C000, s0;
	s9 =	sadd.s32 $0x2000, s0;
	s22 =	smul.u32 $0xA000, s20  }
0x8: {  	s24 =	sor.u32 $0x30, s13;
	s28 =	sor.u32 $0x40, s13;
	s23 =	smul.u32 $0x50, s20  }
0x9: {  	s15 =	sor.u32 $0x50, s13;
	s17 =	sor.u32 $0x60, s13;
	s26 =	smul.u32 $0xA000, s24  }
0xa: {  	s8 =	ssub.s32 $0x2, s3;
	s3 =	sshll.u32 s3, $0x3;
	s14 =	smul.u32 $0xA000, s28  }
0xb: {  	_ =	strace $0x8000004A;
	s16 =	smul.u32 $0xA000, s15;
	[dreg:$0x6] =	wrdreg s3  }
0xc: {  	s19 =	sor.u32 $0x70, s13;
	s3 =	smul.u32 $0x50, s24;
	[dreg:$0x5] =	wrdreg s4  }
0xd: {  	s11 =	sshrl.u32 s8, $0x1;
	s24 =	smul.u32 $0x50, s19;
	[dreg:$0x7] =	wrdreg s23  }
0xe: {  	s18 =	smul.u32 $0xA000, s17;
	s21 =	ssub.s32 s8, s11;
	[dreg:$0x9] =	wrdreg s3  }
0xf: {  	s10 =	sshrl.u32 s10, $0x2;
	s0 =	smax.u32 s21, $0x1;
	[dreg:$0x13] =	wrdreg s24  }
0x10: {  	s8 =	sshrl.u32 s22, $0x2;
	s11 =	sadd.s32 s10, s2;
	[dreg:$0x8] =	wrdreg s0  }
0x11: {  	s4 =	sshrl.u32 s26, $0x2;
	s8 =	sadd.s32 s8, s2;
	[dreg:$0xb] =	wrdreg s11  }
0x12: {  	s26 =	smul.u32 $0x50, s13;
	s4 =	sadd.s32 s4, s2;
	[dreg:$0xd] =	wrdreg s8  }
0x13: {  	s25 =	sshrl.u32 s6, $0x2;
	s3 =	smul.u32 $0x50, s28;
	[dreg:$0xe] =	wrdreg s4  }
0x14: {  	s21 =	smul.u32 $0xA000, s19;
	s0 =	sadd.s32 s25, s2;
	[dreg:$0x16] =	wrdreg s26  }
0x15: {  	s28 =	smul.u32 $0x7530, s13;
	[dreg:$0xa] =	wrdreg s0  }
0x16: {  	[dreg:$0xc] =	wrdreg s3;
	s3 =	smul.u32 $0x50, s15  }
0x17: {  	s20 =	sshrl.u32 s16, $0x2;
	s0 =	sshrl.u32 s14, $0x2;
	[dreg:$0x17] =	wrdreg s28  }
0x18: {  	s23 =	sshrl.u32 s21, $0x2;
	s0 =	sadd.s32 s0, s2;
	[dreg:$0xf] =	wrdreg s3  }
.Ltmp0:
0x19: {  	s25 =	sadd.s32 s23, s2;
	[dreg:$0x10] =	wrdreg s0;
	(pc) =	sbr.rel .LBB2_1-.Ltmp0, $4  }
0x1a: {  	s0 =	sadd.s32 s20, s2;
	s3 =	smul.u32 $0x50, s17;
	[dreg:$0x15] =	wrdreg s25  }
0x1b: {  	s29 =	simm.s32 $0x3;
	s22 =	sshrl.u32 s18, $0x2;
	[dreg:$0x11] =	wrdreg s0  }
0x1c: {  	s30 =	simm.s32 $0x80;
	s0 =	sadd.s32 s22, s2;
	[dreg:$0x12] =	wrdreg s3  }
0x1d: {  	v0 =	vimm.s32 $0x0;
	v1 =	vimm.s32 $0x2710;
	s31 =	simm.s32 $0x400;
	p0 =	sgt.u32 s19, $0x7C;
	[dreg:$0x14] =	wrdreg s0  }
.LBB2_9:
0x1e: {  	s12 =	rddreg [dreg:$0x4]  }
0x1f: {  	s0 =	rddreg [dreg:$0x8];
	s12 =	sadd.s32 $0x1, s12  }
0x20: {  	p1 =	sne.s32 s12, s0  }
.Ltmp1:
0x21: {  	_ = 	snop;
	(pc) =	sbr.rel @!p1 .LBB2_10-.Ltmp1, $1  }
0x22: {  	_ =	sdelay $0x3  }
.LBB2_1:
.Ltmp2:
0x23: {  	(pc) =	sbr.rel .LBB2_2-.Ltmp2, $2  }
0x24: {  	_ =	sdelay $0x2  }
0x25: {  	[dreg:$0x4] =	wrdreg s12;
	s3 =	simm.s32 $0x0  }
.LBB2_8:
0x26: {  	[tilespmem:s28+$0x500] =	vst v0  }
0x27: {  	[tilespmem:s28+$0x600] =	vst v1  }
0x28: {  	[tilespmem:s28+$0x510] =	vst v0  }
0x29: {  	[tilespmem:s28+$0x610] =	vst v1  }
0x2a: {  	[tilespmem:s28+$0x520] =	vst v0  }
0x2b: {  	[tilespmem:s28+$0x620] =	vst v1  }
0x2c: {  	[tilespmem:s28+$0x530] =	vst v0  }
0x2d: {  	[tilespmem:s28+$0x630] =	vst v1  }
0x2e: {  	[tilespmem:s28+$0x540] =	vst v0  }
0x2f: {  	[tilespmem:s28+$0x640] =	vst v1  }
0x30: {  	[tilespmem:s28+$0x550] =	vst v0  }
0x31: {  	[tilespmem:s28+$0x650] =	vst v1  }
0x32: {  	[tilespmem:s28+$0x560] =	vst v0  }
0x33: {  	[tilespmem:s28+$0x660] =	vst v1  }
0x34: {  	[tilespmem:s28+$0x570] =	vst v0;
	p1 =	sgt.s32 s26, $0x0  }
0x35: {  	[tilespmem:s28+$0x670] =	vst v1;
	s0 =	sand.u32 $0x1, s26;
	s8 =	simm.s32 @p1 $0x1  }
0x36: {  	s10 =	sshll.u32 @p1 s0, $0xE;
	_ =	swait.ge @p1 [sflag:s8], $0x4000  }
0x37: {  	s11 =	sshll.u32 @p1 s0, $0x7;
	p2 =	seq.s32 @p1 s26, $0x1;
	[sflag:s8] =	ssyncset.done @p1 $0x0  }
0x38: {  	[sflag:s8] =	ssyncadd.s32 @p1 $0xFFFFC000;
	s8 =	sxor.u32 @p1 $0x4000, s10;
	s10 =	sxor.u32 @p1 $0x180, s11  }
0x39: {  	s11 =	simm.s32 @p1 $0x80;
	s8 =	sor.u32 @p1 $0x900, s8;
	s10 =	sadd.s32 @p1 $0x700, s10  }
0x3a: {  	[spmem:s2] =	stream.indirect.scatter.add.f32 @p1 [tilespmem:s8], [sflag:$0x2], $0x80, s10, s11, $0xb8;
	[tilespmem:$0x1C1C0] =	vst v63  }
0x3b: {  	p1 =	por p2, !p1  }
0x3c: {  	s8 =	simm.s32 @!p1 $0x2  }
0x3d: {  	_ =	swait.ge @!p1 [sflag:s8], $0x4000  }
0x3e: {  	[sflag:s8] =	ssyncset.done @!p1 $0x0  }
0x3f: {  	[sflag:s8] =	ssyncadd.s32 @!p1 $0xFFFFC000  }
0x40: {  	v2 =	vld [tilespmem:$0x500];
	_ =	sdelay $0x3  }
0x41: {  	s15 =	sshll.u32 s0, $0x7  }
0x42: {  	[tilespmem:s15+$0x700] =	vst v2  }
0x43: {  	v2 =	vld [tilespmem:$0x600];
	_ =	sdelay $0x4  }
0x44: {  	[tilespmem:s15+$0x800] =	vst v2  }
0x45: {  	v2 =	vld [tilespmem:$0x510];
	_ =	sdelay $0x4  }
0x46: {  	[tilespmem:s15+$0x710] =	vst v2  }
0x47: {  	v2 =	vld [tilespmem:$0x610];
	_ =	sdelay $0x4  }
0x48: {  	[tilespmem:s15+$0x810] =	vst v2  }
0x49: {  	v2 =	vld [tilespmem:$0x520];
	_ =	sdelay $0x4  }
0x4a: {  	[tilespmem:s15+$0x720] =	vst v2  }
0x4b: {  	v2 =	vld [tilespmem:$0x620];
	_ =	sdelay $0x4  }
0x4c: {  	[tilespmem:s15+$0x820] =	vst v2  }
0x4d: {  	v2 =	vld [tilespmem:$0x530];
	_ =	sdelay $0x4  }
0x4e: {  	[tilespmem:s15+$0x730] =	vst v2  }
0x4f: {  	v2 =	vld [tilespmem:$0x630];
	_ =	sdelay $0x4  }
0x50: {  	[tilespmem:s15+$0x830] =	vst v2  }
0x51: {  	v2 =	vld [tilespmem:$0x540];
	_ =	sdelay $0x4  }
0x52: {  	[tilespmem:s15+$0x740] =	vst v2  }
0x53: {  	v2 =	vld [tilespmem:$0x640];
	_ =	sdelay $0x4  }
0x54: {  	[tilespmem:s15+$0x840] =	vst v2  }
0x55: {  	v2 =	vld [tilespmem:$0x550];
	_ =	sdelay $0x4  }
0x56: {  	[tilespmem:s15+$0x750] =	vst v2  }
0x57: {  	v2 =	vld [tilespmem:$0x650];
	_ =	sdelay $0x4  }
0x58: {  	[tilespmem:s15+$0x850] =	vst v2  }
0x59: {  	v2 =	vld [tilespmem:$0x560];
	_ =	sdelay $0x4  }
0x5a: {  	[tilespmem:s15+$0x760] =	vst v2  }
0x5b: {  	v2 =	vld [tilespmem:$0x660];
	_ =	sdelay $0x4  }
0x5c: {  	[tilespmem:s15+$0x860] =	vst v2  }
0x5d: {  	v2 =	vld [tilespmem:$0x570];
	_ =	sdelay $0x4  }
0x5e: {  	[tilespmem:s15+$0x770] =	vst v2  }
0x5f: {  	v2 =	vld [tilespmem:$0x670];
	_ =	sdelay $0x4  }
0x60: {  	[tilespmem:s15+$0x870] =	vst v2  }
0x61: {  	v2 =	vld [tilespmem:$0x580]  }
0x62: {  	v3 =	vld [tilespmem:$0x680];
	_ =	sdelay $0x3  }
0x63: {  	s0 =	sshll.u32 s0, $0xE;
	[tilespmem:$0x500] =	vst v2  }
0x64: {  	s28 =	simm.s32 $0x1;
	s16 =	sor.u32 $0x700, s15;
	s0 =	sor.u32 $0x900, s0;
	[tilespmem:$0x600] =	vst v3  }
0x65: {  	[tilespmem:s0], [sflag:$0x1] =	stream.indirect.gather [hbm4b:s5+s30], $0x80, s16, s30, $0xb8;
	[tilespmem:$0x1C1C0] =	vst v63  }
0x66: {  	_ =	swait.ge [sflag:s28], $0x4000  }
0x67: {  	[sflag:s28] =	ssyncset.done $0x0  }
0x68: {  	s8 =	sor.u32 $0x800, s15;
	p1 =	slt.s32 s26, $0x1;
	[sflag:s28] =	ssyncadd.s32 $0xFFFFC000  }
0x69: {  	[spmem:s2] =	stream.indirect.scatter.add.f32 [tilespmem:s0], [sflag:$0x2], $0x80, s8, s30, $0xb8;
	[tilespmem:$0x1C1C0] =	vst v63  }
0x6a: {  	s0 =	simm.s32 @!p1 $0x2  }
0x6b: {  	_ =	swait.ge @!p1 [sflag:s0], $0x4000  }
0x6c: {  	[sflag:s0] =	ssyncset.done @!p1 $0x0  }
0x6d: {  	s8 =	simm.s32 $0x2;
	[sflag:s0] =	ssyncadd.s32 @!p1 $0xFFFFC000  }
0x6e: {  	_ =	swait.ge [sflag:s8], $0x4000  }
0x6f: {  	[sflag:s8] =	ssyncset.done $0x0  }
0x70: {  	[sflag:s8] =	ssyncadd.s32 $0xFFFFC000  }
0x71: {  	[bflag:$0x0] =	sbarrier.arrive $0xFFFF  }
0x72: {  	s10 =	rddreg [dreg:$0x18]  }
0x73: {  	s11 =	rddreg [dreg:$0x19];
	s0 =	sadd.s32 s9, s10  }
0x74: {  	[hbm:s0], [sflag:s4] =	dma.local [spmem:s11], $0x500  }
0x75: {  	_ =	swait.ge [sflag:s29], $0x500  }
0x76: {  	[sflag:s29] =	ssyncset.done $0x0;
	s12 =	rddreg [dreg:$0x1a]  }
0x77: {  	s13 =	rddreg [dreg:$0x1b];
	[sflag:s29] =	ssyncadd.s32 $0xFFFFFB00;
	s0 =	sadd.s32 s9, s12  }
0x78: {  	[hbm:s0], [sflag:s4] =	dma.local [spmem:s13], $0x500  }
0x79: {  	_ =	swait.ge [sflag:s29], $0x500  }
0x7a: {  	[sflag:s29] =	ssyncset.done $0x0;
	s14 =	rddreg [dreg:$0x1c]  }
0x7b: {  	s15 =	rddreg [dreg:$0x1d];
	[sflag:s29] =	ssyncadd.s32 $0xFFFFFB00;
	s0 =	sadd.s32 s9, s14  }
0x7c: {  	[hbm:s0], [sflag:s4] =	dma.local [spmem:s15], $0x500  }
0x7d: {  	_ =	swait.ge [sflag:s29], $0x500  }
0x7e: {  	[sflag:s29] =	ssyncset.done $0x0;
	s16 =	rddreg [dreg:$0x1e]  }
0x7f: {  	[sflag:s29] =	ssyncadd.s32 $0xFFFFFB00;
	s0 =	sadd.s32 s9, s16  }
0x80: {  	[hbm:s0], [sflag:s4] =	dma.local [spmem:s17], $0x500  }
0x81: {  	_ =	swait.ge [sflag:s29], $0x500  }
0x82: {  	[sflag:s29] =	ssyncset.done $0x0  }
0x83: {  	s18 =	sadd.s32 s9, s18;
	[sflag:s29] =	ssyncadd.s32 $0xFFFFFB00  }
0x84: {  	[hbm:s18], [sflag:s4] =	dma.local [spmem:s19], $0x500  }
0x85: {  	_ =	swait.ge [sflag:s29], $0x500  }
0x86: {  	[sflag:s29] =	ssyncset.done $0x0  }
0x87: {  	s26 =	sadd.s32 s9, s20;
	[sflag:s29] =	ssyncadd.s32 $0xFFFFFB00  }
0x88: {  	[hbm:s26], [sflag:s4] =	dma.local [spmem:s21], $0x500  }
0x89: {  	_ =	swait.ge [sflag:s29], $0x500  }
0x8a: {  	[sflag:s29] =	ssyncset.done $0x0  }
0x8b: {  	s28 =	sadd.s32 s9, s22;
	[sflag:s29] =	ssyncadd.s32 $0xFFFFFB00  }
0x8c: {  	[hbm:s28], [sflag:s4] =	dma.local [spmem:s23], $0x500  }
0x8d: {  	_ =	swait.ge [sflag:s29], $0x500  }
0x8e: {  	s3 =	sadd.s32 $0x1, s3;
	[sflag:s29] =	ssyncset.done $0x0  }
0x8f: {  	p1 =	sne.s32 s3, $0x8;
	s0 =	sadd.s32 @!p0 s9, s24;
	[sflag:s29] =	ssyncadd.s32 $0xFFFFFB00  }
0x90: {  	[hbm:s0], [sflag:s4] =	dma.local @!p0 [spmem:s25], $0x500  }
.Ltmp3:
0x91: {  	_ = 	snop;
	(pc) =	sbr.rel @!p1 .LBB2_9-.Ltmp3, $4  }
0x92: {  	s0 =	simm.s32 @!p0 $0x3  }
0x93: {  	_ =	swait.ge @!p0 [sflag:s0], $0x500  }
0x94: {  	[sflag:s0] =	ssyncset.done @!p0 $0x0  }
0x95: {  	[sflag:s0] =	ssyncadd.s32 @!p0 $0xFFFFFB00  }
.LBB2_2:
0x96: {  	s0 =	rddreg [dreg:$0x6]  }
0x97: {  	s0 =	sadd.s32 s0, s3  }
0x98: {  	s8 =	smul.u32 $0x2710, s0  }
0x99: {  	s11 =	rddreg [dreg:$0x16]  }
0x9a: {  	s0 =	sadd.s32 s8, s11  }
0x9b: {  	s12 =	stileid.u32;
	s13 =	rddreg [dreg:$0xa];
	s4 =	sshll.u32 s0, $0x4  }
0x9c: {  	s0 =	sshll.u32 s12, $0x6;
	[dreg:$0x18] =	wrdreg s4  }
0x9d: {  	s10 =	sadd.s32 s7, s4;
	s4 =	sor.u32 $0x1C03, s0;
	s0 =	sshrl.u32 s13, $0x3  }
0x9e: {  	[dreg:$0x19] =	wrdreg s0  }
0x9f: {  	[spmem:s0], [sflag:s4] =	dma.local [hbm:s10], $0x500  }
0xa0: {  	_ =	swait.ge [sflag:s29], $0x500  }
0xa1: {  	s14 =	rddreg [dreg:$0x5]  }
0xa2: {  	s15 =	rddreg [dreg:$0xb]  }
0xa3: {  	s0 =	sadd.s32 s8, s14;
	s10 =	sshrl.u32 s15, $0x3  }
0xa4: {  	[sflag:s29] =	ssyncset.done $0x0;
	s0 =	sshll.u32 s0, $0x4;
	[dreg:$0x1b] =	wrdreg s10  }
0xa5: {  	[sflag:s29] =	ssyncadd.s32 $0xFFFFFB00;
	[dreg:$0x1a] =	wrdreg s0;
	s0 =	sadd.s32 s7, s0  }
0xa6: {  	[spmem:s10], [sflag:s4] =	dma.local [hbm:s0], $0x500  }
0xa7: {  	_ =	swait.ge [sflag:s29], $0x500  }
0xa8: {  	s16 =	rddreg [dreg:$0x7]  }
0xa9: {  	s17 =	rddreg [dreg:$0xd]  }
0xaa: {  	s0 =	sadd.s32 s8, s16;
	s10 =	sshrl.u32 s17, $0x3  }
0xab: {  	[sflag:s29] =	ssyncset.done $0x0;
	s0 =	sshll.u32 s0, $0x4;
	[dreg:$0x1d] =	wrdreg s10  }
0xac: {  	[sflag:s29] =	ssyncadd.s32 $0xFFFFFB00;
	[dreg:$0x1c] =	wrdreg s0;
	s0 =	sadd.s32 s7, s0  }
0xad: {  	[spmem:s10], [sflag:s4] =	dma.local [hbm:s0], $0x500  }
0xae: {  	_ =	swait.ge [sflag:s29], $0x500  }
0xaf: {  	s18 =	rddreg [dreg:$0x9]  }
0xb0: {  	[sflag:s29] =	ssyncset.done $0x0;
	s0 =	sadd.s32 s8, s18  }
0xb1: {  	s19 =	rddreg [dreg:$0xe];
	[sflag:s29] =	ssyncadd.s32 $0xFFFFFB00;
	s0 =	sshll.u32 s0, $0x4  }
0xb2: {  	s17 =	sshrl.u32 s19, $0x3;
	[dreg:$0x1e] =	wrdreg s0;
	s0 =	sadd.s32 s7, s0  }
0xb3: {  	[spmem:s17], [sflag:s4] =	dma.local [hbm:s0], $0x500  }
0xb4: {  	_ =	swait.ge [sflag:s29], $0x500  }
0xb5: {  	s20 =	rddreg [dreg:$0xc]  }
0xb6: {  	s0 =	sadd.s32 s8, s20  }
0xb7: {  	[sflag:s29] =	ssyncset.done $0x0;
	s21 =	rddreg [dreg:$0x10];
	s18 =	sshll.u32 s0, $0x4  }
0xb8: {  	[sflag:s29] =	ssyncadd.s32 $0xFFFFFB00;
	s19 =	sshrl.u32 s21, $0x3;
	s0 =	sadd.s32 s7, s18  }
0xb9: {  	[spmem:s19], [sflag:s4] =	dma.local [hbm:s0], $0x500  }
0xba: {  	_ =	swait.ge [sflag:s29], $0x500  }
0xbb: {  	s22 =	rddreg [dreg:$0xf]  }
0xbc: {  	s0 =	sadd.s32 s8, s22  }
0xbd: {  	[sflag:s29] =	ssyncset.done $0x0;
	s23 =	rddreg [dreg:$0x11];
	s20 =	sshll.u32 s0, $0x4  }
0xbe: {  	[sflag:s29] =	ssyncadd.s32 $0xFFFFFB00;
	s21 =	sshrl.u32 s23, $0x3;
	s0 =	sadd.s32 s7, s20  }
0xbf: {  	[spmem:s21], [sflag:s4] =	dma.local [hbm:s0], $0x500  }
0xc0: {  	_ =	swait.ge [sflag:s29], $0x500  }
0xc1: {  	s24 =	rddreg [dreg:$0x12]  }
0xc2: {  	s0 =	sadd.s32 s8, s24  }
0xc3: {  	[sflag:s29] =	ssyncset.done $0x0;
	s25 =	rddreg [dreg:$0x14];
	s22 =	sshll.u32 s0, $0x4  }
0xc4: {  	[sflag:s29] =	ssyncadd.s32 $0xFFFFFB00;
	s23 =	sshrl.u32 s25, $0x3;
	s0 =	sadd.s32 s7, s22  }
0xc5: {  	[spmem:s23], [sflag:s4] =	dma.local [hbm:s0], $0x500  }
0xc6: {  	_ =	swait.ge [sflag:s29], $0x500  }
0xc7: {  	s0 =	rddreg [dreg:$0x13]  }
0xc8: {  	s0 =	sadd.s32 @!p0 s8, s0  }
0xc9: {  	[sflag:s29] =	ssyncset.done $0x0;
	s10 =	rddreg [dreg:$0x15];
	s24 =	sshll.u32 @!p0 s0, $0x4  }
0xca: {  	[sflag:s29] =	ssyncadd.s32 $0xFFFFFB00;
	s25 =	sshrl.u32 @!p0 s10, $0x3;
	s0 =	sadd.s32 @!p0 s7, s24  }
0xcb: {  	[spmem:s25], [sflag:s4] =	dma.local @!p0 [hbm:s0], $0x500  }
0xcc: {  	s0 =	simm.s32 @!p0 $0x3  }
.Ltmp4:
0xcd: {  	_ =	swait.ge @!p0 [sflag:s0], $0x500;
	(pc) =	sbr.rel .LBB2_3-.Ltmp4, $4  }
0xce: {  	[sflag:s0] =	ssyncset.done @!p0 $0x0  }
0xcf: {  	s26 =	sadd.s32 $0x2710, s8;
	[sflag:s0] =	ssyncadd.s32 @!p0 $0xFFFFFB00  }
0xd0: {  	s28 =	simm.s32 $0x0;
	v3 =	vmov s26;
	s26 =	simm.s32 $0x0;
	[bflag:$0x0] =	sbarrier.arrive $0xFFFF  }
0xd1: {  	v2 =	vmov s8;
	s8 =	simm.s32 $0x0;
	s0 =	simm.s32 $0x0;
	s10 =	rddreg [dreg:$0x17]  }
.LBB2_7:
0xd2: {  	s8 =	sadd.s32 $0x1, s8  }
0xd3: {  	p1 =	seq.s32 s8, $0x19  }
.Ltmp5:
0xd4: {  	_ = 	snop;
	(pc) =	sbr.rel @p1 .LBB2_8-.Ltmp5, $2  }
0xd5: {  	_ =	sdelay $0x2  }
0xd6: {  	s10 =	sadd.s32 $0x4B0, s10  }
.LBB2_3:
0xd7: {  	s11 =	sshrl.u32 s8, $0x3  }
0xd8: {  	s11 =	smul.u32 $0x2800, s11  }
0xd9: {  	s12 =	sshll.u32 s8, $0x7  }
0xda: {  	s12 =	sand.u32 $0x380, s12;
	s11 =	sadd.s32 s6, s11  }
0xdb: {  	s11 =	sor.u32 s12, s11  }
0xdc: {  	s11 =	sshrl.u32 s11, $0x3  }
.Ltmp6:
0xdd: {  	s11 =	sadd.s32 s1, s11;
	(pc) =	sbr.rel .LBB2_4-.Ltmp6, $4  }
0xde: {  	[tilespmem:s0], [sflag:$0x3] =	stream.strided.gather [hbm4b:s11+s30], $0x500, s31, s30, $0x38;
	[tilespmem:$0x1C1C0] =	vst v63  }
0xdf: {  	_ =	swait.ge [sflag:s29], $0x500  }
0xe0: {  	[sflag:s29] =	ssyncset.done $0x0  }
0xe1: {  	s12 =	smov.u32 s10;
	s11 =	simm.s32 $0x0;
	[sflag:s29] =	ssyncadd.s32 $0xFFFFFB00  }
.LBB2_6:
0xe2: {  	s11 =	sadd.s32 $0x40, s11  }
0xe3: {  	p2 =	sne.s32 s11, $0x12C0  }
.Ltmp7:
0xe4: {  	_ = 	snop;
	(pc) =	sbr.rel @!p2 .LBB2_7-.Ltmp7, $4  }
0xe5: {  	_ = 	snop  }
0xe6: {  	p1 =	sgt.s32 s28, $0x7F;
	s13 =	simm.s32 $0x1  }
0xe7: {  	s14 =	sadd.s32 $0xFFFFFF80, s28;
	s13 =	simm.s32 @!p1 $0x0  }
0xe8: {  	s12 =	sadd.s32 $0x10, s12;
	s28 =	smov.u32 @p1 s14;
	s26 =	sadd.s32 s13, s26  }
.LBB2_4:
0xe9: {  	s13 =	sshra.s32 s11, $0x2  }
0xea: {  	v4 =	vld [tilespmem:s13+$0x0];
	_ =	sdelay $0x4  }
0xeb: {  	vm0 =	vge.s32 v4, v2;
	vm1 =	vlt.s32 v4, v3  }
0xec: {  	vm0 =	vmand vm0, vm1  }
0xed: {  	v5 =	vsel vm0, $0x1, v0  }
0xee: {  	(xrf0) =	vadd.scan.msk.s32 $0xffff, v5;
	_ =	sdelay $0x5  }
0xef: {  	v5, _, _ =	vpop (xrf0)  }
0xf0: {  	(v2sf) =	vpush v5, $0xF;
	_ =	sdelay $0xe  }
0xf1: {  	s16 =	spop (v2sf)  }
0xf2: {  	p1 =	slt.s32 s16, $0x1  }
0xf3: {  	v6 =	vimm.s32 @!p1 $0x0  }
0xf4: {  	v6 =	vsel @!p1 vm0, $0xFFFFFFFF, v6  }
0xf5: {  	v6 =	vadd.s32 @!p1 s28, v6  }
0xf6: {  	s28 =	sadd.s32 s28, s16;
	v5 =	vadd.s32 @!p1 v5, v6  }
0xf7: {  	p2 =	slt.s32 s28, $0x80  }
.Ltmp8:
0xf8: {  	_ = 	snop;
	(pc) =	sbr.rel @p2 .LBB2_6-.Ltmp8, $4  }
0xf9: {  	v6 =	vlaneseq.u32 @!p1  }
0xfa: {  	s14 =	simm.s32 @!p1 $0x500;
	v6 =	vor.u32 @!p1 s12, v6  }
0xfb: {  	v4 =	vsub.s32 @!p1 v4, v2;
	s13 =	simm.s32 @!p1 $0x600;
	[tilespmem:v5+s14+$0x0] =	vst.idx.msk @!p1 vm0, v6  }
0xfc: {  	[tilespmem:v5+s13+$0x0] =	vst.idx.msk @!p1 vm0, v4  }
0xfd: {  	p1 =	slt.s32 s26, $0x1  }
0xfe: {  	s14 =	sand.u32 $0x1, s26;
	s13 =	simm.s32 @!p1 $0x1  }
0xff: {  	s15 =	sshll.u32 @!p1 s14, $0xE;
	_ =	swait.ge @!p1 [sflag:s13], $0x4000  }
0x100: {  	s16 =	sshll.u32 @!p1 s14, $0x7;
	p2 =	seq.s32 @!p1 s26, $0x1;
	[sflag:s13] =	ssyncset.done @!p1 $0x0  }
0x101: {  	[sflag:s13] =	ssyncadd.s32 @!p1 $0xFFFFC000;
	s13 =	sxor.u32 @!p1 $0x4000, s15;
	s15 =	sxor.u32 @!p1 $0x180, s16  }
0x102: {  	s16 =	simm.s32 @!p1 $0x80;
	s13 =	sor.u32 @!p1 $0x900, s13;
	s15 =	sadd.s32 @!p1 $0x700, s15  }
0x103: {  	[spmem:s2] =	stream.indirect.scatter.add.f32 @!p1 [tilespmem:s13], [sflag:$0x2], $0x80, s15, s16, $0xb8;
	[tilespmem:$0x1C1C0] =	vst v63  }
0x104: {  	p1 =	por p2, p1  }
0x105: {  	s13 =	simm.s32 @!p1 $0x2  }
0x106: {  	_ =	swait.ge @!p1 [sflag:s13], $0x4000  }
0x107: {  	[sflag:s13] =	ssyncset.done @!p1 $0x0  }
0x108: {  	[sflag:s13] =	ssyncadd.s32 @!p1 $0xFFFFC000  }
0x109: {  	v4 =	vld [tilespmem:$0x500];
	_ =	sdelay $0x3  }
0x10a: {  	s16 =	sshll.u32 s14, $0x7  }
0x10b: {  	[tilespmem:s16+$0x700] =	vst v4  }
0x10c: {  	v4 =	vld [tilespmem:$0x600];
	_ =	sdelay $0x4  }
0x10d: {  	[tilespmem:s16+$0x800] =	vst v4  }
0x10e: {  	v4 =	vld [tilespmem:$0x510];
	_ =	sdelay $0x4  }
0x10f: {  	[tilespmem:s16+$0x710] =	vst v4  }
0x110: {  	v4 =	vld [tilespmem:$0x610];
	_ =	sdelay $0x4  }
0x111: {  	[tilespmem:s16+$0x810] =	vst v4  }
0x112: {  	v4 =	vld [tilespmem:$0x520];
	_ =	sdelay $0x4  }
0x113: {  	[tilespmem:s16+$0x720] =	vst v4  }
0x114: {  	v4 =	vld [tilespmem:$0x620];
	_ =	sdelay $0x4  }
0x115: {  	[tilespmem:s16+$0x820] =	vst v4  }
0x116: {  	v4 =	vld [tilespmem:$0x530];
	_ =	sdelay $0x4  }
0x117: {  	[tilespmem:s16+$0x730] =	vst v4  }
0x118: {  	v4 =	vld [tilespmem:$0x630];
	_ =	sdelay $0x4  }
0x119: {  	[tilespmem:s16+$0x830] =	vst v4  }
0x11a: {  	v4 =	vld [tilespmem:$0x540];
	_ =	sdelay $0x4  }
0x11b: {  	[tilespmem:s16+$0x740] =	vst v4  }
0x11c: {  	v4 =	vld [tilespmem:$0x640];
	_ =	sdelay $0x4  }
0x11d: {  	[tilespmem:s16+$0x840] =	vst v4  }
0x11e: {  	v4 =	vld [tilespmem:$0x550];
	_ =	sdelay $0x4  }
0x11f: {  	[tilespmem:s16+$0x750] =	vst v4  }
0x120: {  	v4 =	vld [tilespmem:$0x650];
	_ =	sdelay $0x4  }
0x121: {  	[tilespmem:s16+$0x850] =	vst v4  }
0x122: {  	v4 =	vld [tilespmem:$0x560];
	_ =	sdelay $0x4  }
0x123: {  	[tilespmem:s16+$0x760] =	vst v4  }
0x124: {  	v4 =	vld [tilespmem:$0x660];
	_ =	sdelay $0x4  }
0x125: {  	[tilespmem:s16+$0x860] =	vst v4  }
0x126: {  	v4 =	vld [tilespmem:$0x570];
	_ =	sdelay $0x4  }
0x127: {  	[tilespmem:s16+$0x770] =	vst v4  }
0x128: {  	v4 =	vld [tilespmem:$0x670];
	_ =	sdelay $0x4  }
0x129: {  	[tilespmem:s16+$0x870] =	vst v4  }
0x12a: {  	v4 =	vld [tilespmem:$0x580]  }
0x12b: {  	v5 =	vld [tilespmem:$0x680];
	_ =	sdelay $0x1  }
.Ltmp9:
0x12c: {  	_ = 	snop;
	(pc) =	sbr.rel .LBB2_6-.Ltmp9, $4  }
0x12d: {  	_ = 	snop  }
0x12e: {  	s14 =	sshll.u32 s14, $0xE;
	[tilespmem:$0x500] =	vst v4  }
0x12f: {  	s14 =	sor.u32 $0x900, s14;
	s13 =	sor.u32 $0x700, s16;
	[tilespmem:$0x600] =	vst v5  }
0x130: {  	[tilespmem:s14], [sflag:$0x1] =	stream.indirect.gather [hbm4b:s5+s30], $0x80, s13, s30, $0xb8;
	[tilespmem:$0x1C1C0] =	vst v63  }
.LBB2_10:
0x131: {  	_ =	sfence.sel $0x180000  }
0x132: {  	[bflag:$0x0] =	sbarrier.arrive $0xFFFF  }
0x133: {  	_ =	strace $0x9000004A  }
0x134: {  	s0 =	stileid.u32;
	[bflag:$0x2] =	sbarrier.arrive $0xFFFF  }
0x135: {  	p0 =	sne.s32 s0, $0x0;
	s0 =	rddreg [dreg:$0x3]  }
0x136: {  	s0 =	sadd.s32 @!p0 $0x100000, s0  }
0x137: {  	[sflag:s0] =	ssyncadd.tile.s32 @!p0 $0x1;
	_ =	shalt  }
.Lfunc_end2:
_tile_overlayer_lowered:
.L_overlay_start_2:
0x138: {  	(tag) =	ssettag $0x2  }
0x139: {  	s0 =	rddreg [dreg:$0x0];
	s2 =	stileid.u32  }
0x13a: {  	s1 =	rddreg [dreg:$0x1];
	p0 =	sne.s32 s2, $0x0  }
0x13b: {  	s3 =	rddreg [dreg:$0x2];
	[bflag:$0x3] =	sbarrier.arrive $0xFFFF;
	s2 =	simm.s32 @!p0 $0x1C03  }
0x13c: {  	[timem:s3], [sflag:s2] =	dma.local @!p0 [hbm:s0], s1  }
0x13d: {  	s0 =	simm.s32 @!p0 $0x3  }
0x13e: {  	_ =	swait.ge @!p0 [sflag:s0], s1  }
0x13f: {  	s1 =	ssub.s32 @!p0 $0x0, s1;
	[sflag:s0] =	ssyncset.done @!p0 $0x0  }
0x140: {  	[sflag:s0] =	ssyncadd.s32 @!p0 s1  }
0x141: {  	[bflag:$0x3] =	sbarrier.arrive $0xFFFF  }
0x142: {  	_ =	shalt  }

// kernel: kernel.7.cloned.1.call-start
scs
__scs_entry_jumppad:
0x0: {  	(pc) =	sbr.rel $0x88, $3  }
0x1: {  	(tag) =	ssettag $0x0;
	lr =	simm.s32 $0x1  }
0x2: {  	[smem:$0x3F93] =	sst lr;
	_ =	strace $0xD0000000  }
0x3: {  	_ = 	snop  }
0x4: {  	_ = 	snop  }
0x5: {  	_ = 	snop  }
0x6: {  	_ = 	snop  }
0x7: {  	_ = 	snop  }
__scs_overlays_trampoline_lowered:
0x8: {  	[smem:$0x3FA2] =	sst s0  }
0x9: {  	[smem:$0x3FA3] =	sst s1  }
0xa: {  	[smem:$0x3FA4] =	sst s2  }
0xb: {  	[smem:$0x3FA5] =	sst s3  }
0xc: {  	[smem:$0x3FA6] =	sst s4  }
0xd: {  	[smem:$0x3FA7] =	sst s5  }
0xe: {  	[smem:$0x3FA8] =	sst s6  }
0xf: {  	[smem:$0x3FA9] =	sst s7  }
0x10: {  	[smem:$0x3FAA] =	sst s8  }
0x11: {  	[smem:$0x3FAB] =	sst s9;
	s0 =	simm.s32 @!p0 $0x0  }
0x12: {  	s1 =	sld [smem:$0x3F91];
	s0 =	simm.s32 @p0 $0x1  }
0x13: {  	[smem:$0x3FAC] =	sst s0;
	s0 =	simm.s32 @!p1 $0x0  }
0x14: {  	s2 =	sld [smem:$0x3F90];
	s0 =	simm.s32 @p1 $0x1  }
0x15: {  	[smem:$0x3FAD] =	sst s0;
	s0 =	simm.s32 @!p2 $0x0  }
0x16: {  	s3 =	sld [smem:$0x3FDB];
	s0 =	simm.s32 @p2 $0x1  }
0x17: {  	s4 =	simm.s32 $0x1BF5;
	[smem:$0x3FAF] =	sst s0  }
0x18: {  	s0 =	sld [smem:$0x3F92];
	_ =	swait.ge [sflag:s4], $0x0  }
0x19: {  	s7 =	sld [smem:$0x3F93]  }
0x1a: {  	s8 =	sadd.s32 $0xFFFFE003, lr  }
0x1b: {  	s9 =	sadd.s32 $0xFFFFFEF7, lr;
	s5 =	simm.s32 $0xFFFFFFFF;
	p2 =	slt.u32 s8, $0xFFFFF086  }
0x1c: {  	p1 =	slt.u32 s9, $0xF7A;
	s5 =	simm.s32 @!p2 $0x0  }
0x1d: {  	s5 =	simm.s32 @p1 $0x1;
	p0 =	seq.s32 s7, s2  }
0x1e: {  	s7 =	smul.u32 @!p0 $0xF7A, s2;
	p2 =	seq.s32 @!p0 s5, $0x0  }
0x1f: {  	s9 =	smul.u32 $0xF7A, s1;
	s8 =	simm.s32 @!p0 $0x1BF5;
	p2 =	por !p2, p0  }
0x20: {  	[sflag:s8] =	ssyncset.s32 @!p0 $0xFFFFF086;
	s6 =	sadd.s32 @!p0 s3, s7;
	s7 =	simm.s32 @!p0 $0x108  }
0x21: {  	s3 =	sadd.s32 s3, s9;
	s6 =	sadd.s32 @!p0 $0x88, s6;
	s7 =	simm.s32 @p2 $0x1082  }
0x22: {  	[simem:s7], [sflag:s8] =	dma.local @!p0 [hbm:s6], $0xF7A  }
0x23: {  	s9 =	sor.u32 $0xD0000000, s2;
	s6 =	simm.s32 $0x108;
	_ =	swait.ge @!p0 [sflag:s8], $0x0  }
0x24: {  	s3 =	sadd.s32 $0x88, s3;
	s6 =	simm.s32 @!p1 $0x1082;
	[sflag:s4] =	ssyncset.s32 $0xFFFFF086  }
0x25: {  	[simem:s6], [sflag:s4] =	dma.local [hbm:s3], $0xF7A  }
0x26: {  	[smem:$0x3F93] =	sst s1;
	(tag) =	ssettag s2;
	_ =	strace s9  }
0x27: {  	s1 =	sld [smem:$0x3FA3]  }
0x28: {  	s2 =	sld [smem:$0x3FA4]  }
0x29: {  	s4 =	sld [smem:$0x3FA6]  }
0x2a: {  	p0 =	seq.s32 s5, $0x0;
	s5 =	sld [smem:$0x3FA7]  }
0x2b: {  	s6 =	sld [smem:$0x3FA8]  }
0x2c: {  	s7 =	sld [smem:$0x3FA9]  }
0x2d: {  	s3 =	simm.s32 $0x108;
	s8 =	sld [smem:$0x3FAA]  }
0x2e: {  	s3 =	simm.s32 @!p0 $0x1082;
	s9 =	sld [smem:$0x3FAB]  }
0x2f: {  	lr =	sadd.s32 s0, s3;
	s0 =	sld [smem:$0x3FA2]  }
0x30: {  	s3 =	sld [smem:$0x3FA5]  }
0x31: {  	[smem:$0x3FAE] =	sst s10  }
0x32: {  	s10 =	sld [smem:$0x3FAC];
	_ =	sdelay $0x3  }
0x33: {  	p0 =	seq.s32 s10, $0x1;
	s10 =	sld [smem:$0x3FAE];
	_ =	sdelay $0x3  }
0x34: {  	[smem:$0x3FAE] =	sst s10  }
0x35: {  	s10 =	sld [smem:$0x3FAD];
	_ =	sdelay $0x3  }
0x36: {  	p1 =	seq.s32 s10, $0x1;
	s10 =	sld [smem:$0x3FAE];
	_ =	sdelay $0x3  }
0x37: {  	[smem:$0x3FAE] =	sst s10  }
0x38: {  	s10 =	sld [smem:$0x3FAF]  }
0x39: {  	_ = 	snop;
	(pc) =	sbr.ind lr, $3  }
0x3a: {  	_ = 	snop  }
0x3b: {  	_ = 	snop  }
0x3c: {  	p2 =	seq.s32 s10, $0x1;
	s10 =	sld [smem:$0x3FAE]  }
0x3d: {  	_ =	shalt  }
0x3e: {  	_ =	shalt  }
0x3f: {  	_ =	shalt  }
0x40: {  	_ =	shalt  }
0x41: {  	_ =	shalt  }
0x42: {  	_ =	shalt  }
0x43: {  	_ =	shalt  }
0x44: {  	_ =	shalt  }
0x45: {  	_ =	shalt  }
0x46: {  	_ =	shalt  }
0x47: {  	_ =	shalt  }
0x48: {  	_ =	shalt  }
0x49: {  	_ =	shalt  }
0x4a: {  	_ =	shalt  }
0x4b: {  	_ =	shalt  }
0x4c: {  	_ =	shalt  }
0x4d: {  	_ =	shalt  }
0x4e: {  	_ =	shalt  }
0x4f: {  	_ =	shalt  }
0x50: {  	_ =	shalt  }
0x51: {  	_ =	shalt  }
0x52: {  	_ =	shalt  }
0x53: {  	_ =	shalt  }
0x54: {  	_ =	shalt  }
0x55: {  	_ =	shalt  }
0x56: {  	_ =	shalt  }
0x57: {  	_ =	shalt  }
0x58: {  	_ =	shalt  }
0x59: {  	_ =	shalt  }
0x5a: {  	_ =	shalt  }
0x5b: {  	_ =	shalt  }
0x5c: {  	_ =	shalt  }
0x5d: {  	_ =	shalt  }
0x5e: {  	_ =	shalt  }
0x5f: {  	_ =	shalt  }
0x60: {  	_ =	shalt  }
0x61: {  	_ =	shalt  }
0x62: {  	_ =	shalt  }
0x63: {  	_ =	shalt  }
0x64: {  	_ =	shalt  }
0x65: {  	_ =	shalt  }
0x66: {  	_ =	shalt  }
0x67: {  	_ =	shalt  }
0x68: {  	_ =	shalt  }
0x69: {  	_ =	shalt  }
0x6a: {  	_ =	shalt  }
0x6b: {  	_ =	shalt  }
0x6c: {  	_ =	shalt  }
0x6d: {  	_ =	shalt  }
0x6e: {  	_ =	shalt  }
0x6f: {  	_ =	shalt  }
0x70: {  	_ =	shalt  }
0x71: {  	_ =	shalt  }
0x72: {  	_ =	shalt  }
0x73: {  	_ =	shalt  }
0x74: {  	_ =	shalt  }
0x75: {  	_ =	shalt  }
0x76: {  	_ =	shalt  }
0x77: {  	_ =	shalt  }
0x78: {  	_ =	shalt  }
0x79: {  	_ =	shalt  }
0x7a: {  	_ =	shalt  }
0x7b: {  	_ =	shalt  }
0x7c: {  	_ =	shalt  }
0x7d: {  	_ =	shalt  }
0x7e: {  	_ =	shalt  }
0x7f: {  	_ =	shalt  }
0x80: {  	_ =	shalt  }
0x81: {  	_ =	shalt  }
0x82: {  	_ =	shalt  }
0x83: {  	_ =	shalt  }
0x84: {  	_ =	shalt  }
0x85: {  	_ =	shalt  }
0x86: {  	_ =	shalt  }
0x87: {  	_ =	shalt  }
.Lfunc_end0:
.L_simem_size_0:
called_computation_lowered:
.L_overlay_start_0:
0x88: {  	s2 =	sld [smem:$0x3FD9]  }
0x89: {  	s3 =	sld [smem:$0x3FFE];
	_ =	sdelay $0x1  }
0x8a: {  	s1 =	srdreg.scid  }
0x8b: {  	s0 =	sand.u32 $0x1, s1  }
0x8c: {  	s16 =	sshll.u32 s0, $0xA;
	s2 =	sadd.s32 s3, s2  }
0x8d: {  	s2 =	sadd.s32 s2, s16  }
0x8e: {  	[smem:$0x3FBA] =	sst s2  }
0x8f: {  	_ = 	snop  }
0x90: {  	(tm) =	ssettm $0x1  }
0x91: {  	s17 =	sld [smem:$0x3FFB];
	_ =	sdelay $0x3  }
0x92: {  	_ =	strace s17  }
0x93: {  	s2 =	sld [smem:$0x3FFC];
	_ =	sdelay $0x3  }
0x94: {  	_ =	strace s2  }
0x95: {  	s2 =	sld [smem:$0x3FFD];
	_ =	sdelay $0x3  }
0x96: {  	_ =	strace s2  }
0x97: {  	_ =	strace $0x8FFFFFFF  }
0x98: {  	s18 =	sld [smem:$0x3FDB];
	_ =	sdelay $0x1  }
0x99: {  	s19 =	simm.s32 $_scs_section_size  }
0x9a: {  	s4 =	simm.s32 $_size__tile_overlayer_lowered;
	s5 =	simm.s32 $_tile_overlayer_lowered  }
0x9b: {  	s22 =	simm.s32 $0x1BFF;
	s21 =	sshll.u32 s5, $0x1;
	s2 =	sadd.s32 s19, s18  }
0x9c: {  	s6 =	simm.s32 $0x0;
	s20 =	sshll.u32 s4, $0x1;
	s4 =	sadd.s32 s21, s2  }
0x9d: {  	[timem:s6], [sflag:s22] =	dma.local [hbm:s4], s20  }
0x9e: {  	_ =	swait.ge [sflag:s22], s20  }
0x9f: {  	s3 =	ssub.s32 $0x0, s20;
	[sflag:s22] =	ssyncset.done $0x0  }
0xa0: {  	[sflag:s22] =	ssyncadd.s32 s3;
	_ =	sdelay $0x1  }
0xa1: {  	s23 =	simm.s32 $0x1B8B  }
0xa2: {  	_ =	swait.ge [sflag:s23], $0x1  }
0xa3: {  	[sflag:s23] =	ssyncset.done $0x0  }
0xa4: {  	s25 =	simm.s32 $0x1B8E;
	s24 =	sld [smem:$0x3FFE];
	[sflag:s23] =	ssyncadd.s32 $0xFFFFFFFF  }
0xa5: {  	s26 =	simm.s32 $execute0_lowered;
	[smem:$0x3FD2] =	sst s25  }
0xa6: {  	s4 =	sshll.u32 s26, $0x1;
	_ =	strace $0x80000046;
	[dreg:$0x1] =	wrdreg $0xFFFFFFFF  }
0xa7: {  	s28 =	simm.s32 $_size_execute0_lowered;
	s2 =	sadd.s32 s2, s4;
	[dreg:$0x0] =	wrdreg $0x0  }
0xa8: {  	s4 =	sshll.u32 s28, $0x1;
	[dreg:$0x2] =	wrdreg s2  }
0xa9: {  	[dreg:$0x3] =	wrdreg s4  }
0xaa: {  	[dreg:$0x4] =	wrdreg $0xC0  }
0xab: {  	_ =	task [dreg:s6], $0x5FFFF  }
0xac: {  	[dreg:$0x1] =	wrdreg $0xFFFFFFFF  }
0xad: {  	[dreg:$0x0] =	wrdreg $0x60  }
0xae: {  	[dreg:$0x2] =	wrdreg s24  }
0xaf: {  	[dreg:$0x3] =	wrdreg $0x9  }
0xb0: {  	_ =	task.clear_ibuf [dreg:s6], $0x4FFFF;
	_ =	strace $0x90000046  }
0xb1: {  	s29 =	simm.s32 $0x9;
	_ =	strace $0x80000048  }
0xb2: {  	_ =	swait.ge [sflag:s29], $0x1  }
0xb3: {  	[sflag:s29] =	ssyncadd.s32 $0xFFFFFFFF  }
0xb4: {  	_ =	strace $0x90000048  }
0xb5: {  	_ =	sfence  }
0xb6: {  	s30 =	sld [smem:$0x0];
	_ =	sdelay $0x2  }
0xb7: {  	s31 =	sshll.u32 s1, $0xD;
	s1 =	sshrl.u32 s1, $0x2  }
0xb8: {  	s3 =	sand.u32 $0x4000, s31;
	s1 =	sadd.s32 s1, s30  }
0xb9: {  	s0 =	sor.u32 s3, s0;
	s1 =	sshll.u32 s1, $0x11  }
0xba: {  	s0 =	sor.u32 s1, s0  }
0xbb: {  	s0 =	sadd.s32 $0x8F2B, s0  }
0xbc: {  	[sflag:s0] =	ssyncadd.remote.s32 $0x1  }
0xbd: {  	_ =	sfence.sel $0xFFFF  }
0xbe: {  	[dreg:$0x0] =	wrdreg $0xFFFFFFFF;
	(pc) =	sbr.abs _section_cstart, $3  }
0xbf: {  	[dreg:$0x1] =	wrdreg $0xFFFFFFFF  }
0xc0: {  	_ =	task.clear_ibuf [dreg:s6], $0x2FFFF;
	_ =	strace $0x9FFFFFFF  }
0xc1: {  	(tm) =	ssettm $0x7FFFFFFF  }
tec
execute0_lowered:
.L_overlay_start_1:
0x0: {  	(tag) =	ssettag $0x1  }
0x1: {  	s3 =	rddreg [dreg:$0x0]  }
0x2: {  	s0 =	rddreg [dreg:$0x1]  }
0x3: {  	s4 =	srdreg.scid;
	s1 =	stileid.u32  }
0x4: {  	s2 =	simm.s32 $0x0;
	s10 =	simm.s32 $0x80;
	s11 =	simm.s32 $0x4000  }
0x5: {  	s12 =	simm.s32 $0x100;
	s13 =	simm.s32 $0x7C00;
	s14 =	simm.s32 $0x180  }
0x6: {  	s15 =	simm.s32 $0xB800;
	s16 =	simm.s32 $0x200;
	s17 =	simm.s32 $0xF400  }
0x7: {  	s18 =	simm.s32 $0x1;
	s4 =	sand.u32 $0x1, s4;
	s5 =	smul.u32 $0xC800, s1  }
0x8: {  	s19 =	simm.s32 $0x0;
	[smem:$0x7FF] =	sst s2;
	s6 =	smul.u32 $0x6400, s4  }
0x9: {  	s30 =	smul.u32 $0x75300, s1;
	_ =	strace $0x80000047;
	s7 =	ssub.s32 $0x2, s4  }
0xa: {  	s9 =	smul.u32 $0x3A980, s4;
	s8 =	sshrl.u32 s7, $0x1;
	s5 =	sadd.s32 s6, s5  }
0xb: {  	s6 =	sadd.s32 s30, s3;
	s31 =	ssub.s32 s7, s8;
	s7 =	simm.s32 $0x2  }
0xc: {  	s8 =	simm.s32 $0x78;
	s5 =	sshrl.u32 s5, $0x3;
	s4 =	smax.u32 s31, $0x1  }
0xd: {  	s6 =	sadd.s32 s9, s6;
	s9 =	simm.s32 $0x400;
	s5 =	sadd.s32 s5, s3  }
0xe: {  	s3 =	sadd.s32 $0x1B000, s3;
	s6 =	sadd.s32 $0x4FD000, s6;
	s5 =	sadd.s32 $0x2000, s5  }
.LBB2_1:
0xf: {  	s20 =	sadd.s32 $0x0, s5  }
0x10: {  	[tilespmem:s2], [sflag:$0x2] =	stream.linear.gather [hbm4b:s20+s2], $0x280, $0x38;
	[tilespmem:$0x13000] =	vst v63  }
0x11: {  	_ =	swait.ge [sflag:s7], $0x280  }
0x12: {  	[sflag:s7] =	ssyncset.done $0x0  }
0x13: {  	[sflag:s7] =	ssyncadd.s32 $0xFFFFFD80  }
0x14: {  	[tilespmem:s9], [sflag:$0x1] =	stream.indirect.gather [hbm4b:s3+s8], $0x80, s2, s8, $0xb8;
	[tilespmem:$0x13000] =	vst v63  }
0x15: {  	_ = 	snop  }
0x16: {  	[tilespmem:s11], [sflag:$0x1] =	stream.indirect.gather [hbm4b:s3+s8], $0x80, s10, s8, $0xb8;
	[tilespmem:$0x13000] =	vst v63  }
0x17: {  	_ = 	snop  }
0x18: {  	[tilespmem:s13], [sflag:$0x1] =	stream.indirect.gather [hbm4b:s3+s8], $0x80, s12, s8, $0xb8;
	[tilespmem:$0x13000] =	vst v63  }
0x19: {  	_ = 	snop  }
0x1a: {  	[tilespmem:s15], [sflag:$0x1] =	stream.indirect.gather [hbm4b:s3+s8], $0x80, s14, s8, $0xb8;
	[tilespmem:$0x13000] =	vst v63  }
0x1b: {  	_ = 	snop  }
0x1c: {  	[tilespmem:s17], [sflag:$0x1] =	stream.indirect.gather [hbm4b:s3+s8], $0x80, s16, s8, $0xb8;
	[tilespmem:$0x13000] =	vst v63  }
0x1d: {  	_ =	swait.ge [sflag:s18], $0x3C00  }
0x1e: {  	[sflag:s18] =	ssyncset.done $0x0  }
0x1f: {  	[sflag:s18] =	ssyncadd.s32 $0xFFFFC400  }
0x20: {  	_ =	swait.ge [sflag:s18], $0x3C00  }
0x21: {  	[sflag:s18] =	ssyncset.done $0x0  }
0x22: {  	[sflag:s18] =	ssyncadd.s32 $0xFFFFC400  }
0x23: {  	_ =	swait.ge [sflag:s18], $0x3C00  }
0x24: {  	[sflag:s18] =	ssyncset.done $0x0  }
0x25: {  	[sflag:s18] =	ssyncadd.s32 $0xFFFFC400  }
0x26: {  	_ =	swait.ge [sflag:s18], $0x3C00  }
0x27: {  	[sflag:s18] =	ssyncset.done $0x0  }
0x28: {  	[sflag:s18] =	ssyncadd.s32 $0xFFFFC400  }
0x29: {  	_ =	swait.ge [sflag:s18], $0x3C00  }
0x2a: {  	[sflag:s18] =	ssyncset.done $0x0  }
0x2b: {  	[sflag:s18] =	ssyncadd.s32 $0xFFFFC400  }
0x2c: {  	[hbm4b:s6+s2] =	stream.linear.scatter [tilespmem:s9], [sflag:$0x2], $0x12C00, $0x38;
	[tilespmem:$0x13000] =	vst v63  }
0x2d: {  	s21 =	simm.s32 $0x80;
	_ =	swait.ge [sflag:s7], $0x12C00  }
0x2e: {  	s22 =	simm.s32 $0x100;
	s20 =	sadd.s32 $0x2580, s6;
	[sflag:s7] =	ssyncset.done $0x0  }
.LBB2_2:
0x2f: {  	s23 =	sadd.s32 s21, s5  }
0x30: {  	[sflag:s7] =	ssyncadd.s32 $0xFFFED400;
	s21 =	smov.u32 s22;
	s24 =	sadd.s32 $0x80, s22  }
0x31: {  	[tilespmem:s2], [sflag:$0x2] =	stream.linear.gather [hbm4b:s23+s2], $0x280, $0x38;
	[tilespmem:$0x13000] =	vst v63  }
0x32: {  	p0 =	sne.s32 s22, $0xC00;
	_ =	swait.ge [sflag:s7], $0x280  }
0x33: {  	[sflag:s7] =	ssyncset.done $0x0  }
0x34: {  	[sflag:s7] =	ssyncadd.s32 $0xFFFFFD80  }
0x35: {  	[tilespmem:s9], [sflag:$0x1] =	stream.indirect.gather [hbm4b:s3+s8], $0x80, s2, s8, $0xb8;
	[tilespmem:$0x13000] =	vst v63  }
0x36: {  	_ = 	snop  }
0x37: {  	[tilespmem:s11], [sflag:$0x1] =	stream.indirect.gather [hbm4b:s3+s8], $0x80, s10, s8, $0xb8;
	[tilespmem:$0x13000] =	vst v63  }
0x38: {  	_ = 	snop  }
0x39: {  	[tilespmem:s13], [sflag:$0x1] =	stream.indirect.gather [hbm4b:s3+s8], $0x80, s12, s8, $0xb8;
	[tilespmem:$0x13000] =	vst v63  }
0x3a: {  	_ = 	snop  }
0x3b: {  	[tilespmem:s15], [sflag:$0x1] =	stream.indirect.gather [hbm4b:s3+s8], $0x80, s14, s8, $0xb8;
	[tilespmem:$0x13000] =	vst v63  }
0x3c: {  	_ = 	snop  }
0x3d: {  	[tilespmem:s17], [sflag:$0x1] =	stream.indirect.gather [hbm4b:s3+s8], $0x80, s16, s8, $0xb8;
	[tilespmem:$0x13000] =	vst v63  }
0x3e: {  	_ =	swait.ge [sflag:s18], $0x3C00  }
0x3f: {  	[sflag:s18] =	ssyncset.done $0x0  }
0x40: {  	[sflag:s18] =	ssyncadd.s32 $0xFFFFC400  }
0x41: {  	_ =	swait.ge [sflag:s18], $0x3C00  }
0x42: {  	[sflag:s18] =	ssyncset.done $0x0  }
0x43: {  	[sflag:s18] =	ssyncadd.s32 $0xFFFFC400  }
0x44: {  	_ =	swait.ge [sflag:s18], $0x3C00  }
0x45: {  	[sflag:s18] =	ssyncset.done $0x0  }
0x46: {  	[sflag:s18] =	ssyncadd.s32 $0xFFFFC400  }
0x47: {  	_ =	swait.ge [sflag:s18], $0x3C00  }
0x48: {  	[sflag:s18] =	ssyncset.done $0x0  }
0x49: {  	[sflag:s18] =	ssyncadd.s32 $0xFFFFC400  }
0x4a: {  	_ =	swait.ge [sflag:s18], $0x3C00  }
.Ltmp0:
0x4b: {  	[sflag:s18] =	ssyncset.done $0x0;
	(pc) =	sbr.rel @p0 .LBB2_2-.Ltmp0, $4  }
0x4c: {  	[sflag:s18] =	ssyncadd.s32 $0xFFFFC400  }
0x4d: {  	[hbm4b:s20+s2] =	stream.linear.scatter [tilespmem:s9], [sflag:$0x2], $0x12C00, $0x38;
	[tilespmem:$0x13000] =	vst v63  }
0x4e: {  	_ =	swait.ge [sflag:s7], $0x12C00  }
0x4f: {  	s22 =	smov.u32 s24;
	s20 =	sadd.s32 $0x2580, s20;
	[sflag:s7] =	ssyncset.done $0x0  }
0x50: {  	s21 =	sadd.s32 s21, s5;
	[sflag:s7] =	ssyncadd.s32 $0xFFFED400  }
0x51: {  	[tilespmem:s2], [sflag:$0x2] =	stream.linear.gather [hbm4b:s21+s2], $0x280, $0x38;
	[tilespmem:$0x13000] =	vst v63  }
0x52: {  	_ =	swait.ge [sflag:s7], $0x280  }
0x53: {  	[sflag:s7] =	ssyncset.done $0x0  }
0x54: {  	[sflag:s7] =	ssyncadd.s32 $0xFFFFFD80  }
0x55: {  	[tilespmem:s9], [sflag:$0x1] =	stream.indirect.gather [hbm4b:s3+s8], $0x80, s2, s8, $0xb8;
	[tilespmem:$0x13000] =	vst v63  }
0x56: {  	_ = 	snop  }
0x57: {  	[tilespmem:s11], [sflag:$0x1] =	stream.indirect.gather [hbm4b:s3+s8], $0x80, s10, s8, $0xb8;
	[tilespmem:$0x13000] =	vst v63  }
0x58: {  	_ = 	snop  }
0x59: {  	[tilespmem:s13], [sflag:$0x1] =	stream.indirect.gather [hbm4b:s3+s8], $0x80, s12, s8, $0xb8;
	[tilespmem:$0x13000] =	vst v63  }
0x5a: {  	_ = 	snop  }
0x5b: {  	[tilespmem:s15], [sflag:$0x1] =	stream.indirect.gather [hbm4b:s3+s8], $0x80, s14, s8, $0xb8;
	[tilespmem:$0x13000] =	vst v63  }
0x5c: {  	_ = 	snop  }
0x5d: {  	[tilespmem:s17], [sflag:$0x1] =	stream.indirect.gather [hbm4b:s3+s8], $0x80, s16, s8, $0xb8;
	[tilespmem:$0x13000] =	vst v63  }
0x5e: {  	_ =	swait.ge [sflag:s18], $0x3C00  }
0x5f: {  	[sflag:s18] =	ssyncset.done $0x0  }
0x60: {  	[sflag:s18] =	ssyncadd.s32 $0xFFFFC400  }
0x61: {  	_ =	swait.ge [sflag:s18], $0x3C00  }
0x62: {  	[sflag:s18] =	ssyncset.done $0x0  }
0x63: {  	[sflag:s18] =	ssyncadd.s32 $0xFFFFC400  }
0x64: {  	_ =	swait.ge [sflag:s18], $0x3C00  }
0x65: {  	[sflag:s18] =	ssyncset.done $0x0  }
0x66: {  	[sflag:s18] =	ssyncadd.s32 $0xFFFFC400  }
0x67: {  	_ =	swait.ge [sflag:s18], $0x3C00  }
0x68: {  	[sflag:s18] =	ssyncset.done $0x0  }
0x69: {  	[sflag:s18] =	ssyncadd.s32 $0xFFFFC400  }
0x6a: {  	s19 =	sadd.s32 $0x1, s19;
	_ =	swait.ge [sflag:s18], $0x3C00  }
0x6b: {  	p0 =	sne.s32 s19, s4;
	[sflag:s18] =	ssyncset.done $0x0  }
.Ltmp1:
0x6c: {  	[sflag:s18] =	ssyncadd.s32 $0xFFFFC400;
	(pc) =	sbr.rel @p0 .LBB2_1-.Ltmp1, $4  }
0x6d: {  	[hbm4b:s20+s2] =	stream.linear.scatter [tilespmem:s9], [sflag:$0x2], $0x12C00, $0x38;
	[tilespmem:$0x13000] =	vst v63  }
0x6e: {  	_ =	swait.ge [sflag:s7], $0x12C00  }
0x6f: {  	[sflag:s7] =	ssyncset.done $0x0  }
0x70: {  	[sflag:s7] =	ssyncadd.s32 $0xFFFED400  }
0x71: {  	_ =	sfence.sel $0x180000  }
0x72: {  	[bflag:$0x0] =	sbarrier.arrive $0xFFFF  }
0x73: {  	p0 =	sne.s32 s1, $0x0;
	_ =	strace $0x90000047  }
0x74: {  	s0 =	sadd.s32 @!p0 $0x100000, s0;
	[bflag:$0x2] =	sbarrier.arrive $0xFFFF  }
0x75: {  	[sflag:s0] =	ssyncadd.tile.s32 @!p0 $0x1;
	_ =	shalt  }
.Lfunc_end2:
_tile_overlayer_lowered:
.L_overlay_start_2:
0x76: {  	(tag) =	ssettag $0x2  }
0x77: {  	s0 =	rddreg [dreg:$0x0];
	s2 =	stileid.u32  }
0x78: {  	s1 =	rddreg [dreg:$0x1];
	p0 =	sne.s32 s2, $0x0  }
0x79: {  	s3 =	rddreg [dreg:$0x2];
	[bflag:$0x3] =	sbarrier.arrive $0xFFFF;
	s2 =	simm.s32 @!p0 $0x1C02  }
0x7a: {  	[timem:s3], [sflag:s2] =	dma.local @!p0 [hbm:s0], s1  }
0x7b: {  	s0 =	simm.s32 @!p0 $0x2  }
0x7c: {  	_ =	swait.ge @!p0 [sflag:s0], s1  }
0x7d: {  	s1 =	ssub.s32 @!p0 $0x0, s1;
	[sflag:s0] =	ssyncset.done @!p0 $0x0  }
0x7e: {  	[sflag:s0] =	ssyncadd.s32 @!p0 s1  }
0x7f: {  	[bflag:$0x3] =	sbarrier.arrive $0xFFFF  }
0x80: {  	_ =	shalt  }

</sc_bundles>
